<compile_context>
chip_gen: v7x
topology: tpu7x:2x2x1
jax: 0.10.2.dev20260603
libtpu: 0.0.44.dev20260713+nightly
codegen_flags: <defaults>
</compile_context>

<pallas_src>
import functools

import jax
import jax.numpy as jnp
from jax import lax
from jax.experimental import pallas as pl
from jax.experimental.pallas import tpu as pltpu
from jax.experimental.pallas import tpu_sc as plsc

_NPOINT = 1024
_RADIUS = 0.4
_NSAMPLE = 32
_EPS = 1e-5
_R2 = _RADIUS * _RADIUS

_NC = 2
_NS = 16
_NW = _NC * _NS



def _fps_body(xyz_ref, idx_ref, nxx_ref, nxy_ref, nxz_ref, s1_ref):
    B = xyz_ref.shape[0]
    N = xyz_ref.shape[2]
    S = _NPOINT
    x = xyz_ref[:, 0, :]
    y = xyz_ref[:, 1, :]
    z = xyz_ref[:, 2, :]
    iota = jax.lax.broadcasted_iota(jnp.int32, (B, N), 1)
    iota_s = jax.lax.broadcasted_iota(jnp.int32, (B, S), 1)

    def step(i, carry):
        dist, far, cen, ax, ay, az = carry
        slot = iota_s == i
        cen = jnp.where(slot, far, cen)
        onehot = iota == far
        cx = jnp.sum(jnp.where(onehot, x, 0.0), axis=1, keepdims=True)
        cy = jnp.sum(jnp.where(onehot, y, 0.0), axis=1, keepdims=True)
        cz = jnp.sum(jnp.where(onehot, z, 0.0), axis=1, keepdims=True)
        ax = jnp.where(slot, cx, ax)
        ay = jnp.where(slot, cy, ay)
        az = jnp.where(slot, cz, az)
        dx = x - cx
        dy = y - cy
        dz = z - cz
        d = (dx * dx + dz * dz) + dy * dy
        dist = jnp.minimum(dist, d)
        m = jnp.max(dist, axis=1, keepdims=True)
        far = jnp.min(jnp.where(dist == m, iota, N), axis=1, keepdims=True)
        return dist, far, cen, ax, ay, az

    dist0 = jnp.full((B, N), 1e10, jnp.float32) + x * 0.0
    far0 = (x[:, :1] * 0.0).astype(jnp.int32)
    zs = x[:, :S] * 0.0
    cen0 = zs.astype(jnp.int32)
    _, _, cen, ax, ay, az = jax.lax.fori_loop(
        0, S, step, (dist0, far0, cen0, zs, zs, zs))
    idx_ref[...] = cen
    nxx_ref[...] = ax
    nxy_ref[...] = ay
    nxz_ref[...] = az
    s1_ref[...] = ax * ax + ay * ay + az * az


def _fps_pallas(xyz):
    B, _, N = xyz.shape
    S = _NPOINT
    return pl.pallas_call(
        _fps_body,
        grid=(1,),
        in_specs=[pl.BlockSpec((B, 3, N), lambda i: (0, 0, 0))],
        out_specs=[pl.BlockSpec((B, S), lambda i: (0, 0))] * 5,
        out_shape=[jax.ShapeDtypeStruct((B, S), jnp.int32)]
        + [jax.ShapeDtypeStruct((B, S), jnp.float32)] * 4,
    )(xyz)



_TS_D = 256


def _sqsel_body(cp_ref, xyz_ref, idx_ref):
    N = xyz_ref.shape[2]
    TS = _TS_D
    xyzb = xyz_ref[0]
    x = xyzb[0:1]
    y = xyzb[1:2]
    z = xyzb[2:3]
    s2 = x * x + y * y + z * z
    cpf = cp_ref[0]
    s1col = cpf[:, 7:8]
    cb = cpf.astype(jnp.bfloat16)
    pb = jnp.concatenate(
        [xyzb, jnp.zeros((5, N), jnp.float32)], axis=0).astype(jnp.bfloat16)
    dotp = jnp.dot(cb, pb, preferred_element_type=jnp.float32)
    d = (s1col + s2) - 2.0 * dotp
    iota_n = jax.lax.broadcasted_iota(jnp.int32, (TS, N), 1)
    key = jnp.where(d <= _R2, iota_n, N)
    cols = []
    last = key[:, :1] * 0 - 1
    for _ in range(_NSAMPLE):
        t = jnp.where(key > last, key, N)
        nk = jnp.min(t, axis=1, keepdims=True)
        cols.append(nk)
        last = nk
    idx = jnp.concatenate(cols, axis=1)
    first = idx[:, :1]
    idx_ref[0] = jnp.where(idx == N, first, idx)


def _sqsel(cpack, xyz):
    B, S, _ = cpack.shape
    N = xyz.shape[2]
    return pl.pallas_call(
        _sqsel_body,
        grid=(B, S // _TS_D),
        in_specs=[
            pl.BlockSpec((1, _TS_D, 8), lambda b, j: (b, j, 0)),
            pl.BlockSpec((1, 3, N), lambda b, j: (b, 0, 0)),
        ],
        out_specs=pl.BlockSpec((1, _TS_D, _NSAMPLE), lambda b, j: (b, j, 0)),
        out_shape=jax.ShapeDtypeStruct((B, S, _NSAMPLE), jnp.int32),
    )(cpack, xyz)


_TR = 2048



_SC_CHUNK = 1024


def _sc_gather(idx_flat, T64, T16):
    RK = idx_flat.shape[0]
    per_w = RK // _NW
    sk_per_batch = RK // 8
    n_rows = T64.shape[0] // 8
    n_chunks = per_w // _SC_CHUNK
    mesh = plsc.VectorSubcoreMesh(
        core_axis_name="c", subcore_axis_name="s",
        num_cores=_NC, num_subcores=_NS)

    @functools.partial(
        pl.kernel,
        mesh=mesh,
        out_type=[
            jax.ShapeDtypeStruct((RK, 64), jnp.float32),
            jax.ShapeDtypeStruct((RK, 16), jnp.float32),
        ],
        scratch_types=[
            pltpu.VMEM((per_w,), jnp.int32),
            pltpu.VMEM((_SC_CHUNK, 64), jnp.float32),
            pltpu.VMEM((_SC_CHUNK, 16), jnp.float32),
            pltpu.SemaphoreType.DMA,
            pltpu.SemaphoreType.DMA,
        ],
        compiler_params=pltpu.CompilerParams(use_tc_tiling_on_sc=False),
    )
    def body(idx_hbm, t64_hbm, t16_hbm, outf_hbm, outx_hbm,
             idxv, rows64, rows16, sem1, sem2):
        wid = lax.axis_index("s") * _NC + lax.axis_index("c")
        base = wid * per_w
        boff = (base // sk_per_batch) * n_rows
        pltpu.sync_copy(idx_hbm.at[pl.ds(base, per_w)], idxv)

        def add_body(i, carry):
            idxv[pl.ds(i * 16, 16)] = idxv[pl.ds(i * 16, 16)] + boff
            return carry

        lax.fori_loop(0, per_w // 16, add_body, 0)

        def chunk_body(c, carry):
            ids = idxv.at[pl.ds(c * _SC_CHUNK, _SC_CHUNK)]
            cp1 = pltpu.async_copy(t64_hbm.at[ids], rows64, sem1)
            cp2 = pltpu.async_copy(t16_hbm.at[ids], rows16, sem2)
            cp1.wait()
            cp2.wait()
            dst = pl.ds(base + c * _SC_CHUNK, _SC_CHUNK)
            pltpu.sync_copy(rows64, outf_hbm.at[dst])
            pltpu.sync_copy(rows16, outx_hbm.at[dst])
            return carry

        lax.fori_loop(0, n_chunks, chunk_body, 0)

    return body(idx_flat, T64, T16)



def _layer0_body(f_ref, xg_ref, nx_ref, w_ref, z_ref, ps_ref):
    g = _TR // _NSAMPLE
    dxyz = (xg_ref[...].reshape(g, _NSAMPLE, 16)
            - nx_ref[...][:, None, :]).reshape(_TR, 16)
    x67 = jnp.concatenate([dxyz[:, :3], f_ref[...]], axis=1)
    z = jnp.dot(x67.astype(jnp.bfloat16), w_ref[...].astype(jnp.bfloat16),
                preferred_element_type=jnp.float32)
    z_ref[...] = z
    ps_ref[...] = jnp.stack([jnp.sum(z, axis=0), jnp.sum(z * z, axis=0)])[None]


def _layer0(Fg, Xg, nxyz16, W67):
    R = Fg.shape[0]
    grid = (R // _TR,)
    g = _TR // _NSAMPLE
    return pl.pallas_call(
        _layer0_body,
        grid=grid,
        in_specs=[
            pl.BlockSpec((_TR, 64), lambda i: (i, 0)),
            pl.BlockSpec((_TR, 16), lambda i: (i, 0)),
            pl.BlockSpec((g, 16), lambda i: (i, 0)),
            pl.BlockSpec((67, 64), lambda i: (0, 0)),
        ],
        out_specs=[
            pl.BlockSpec((_TR, 64), lambda i: (i, 0)),
            pl.BlockSpec((1, 2, 64), lambda i: (i, 0, 0)),
        ],
        out_shape=[
            jax.ShapeDtypeStruct((R, 64), jnp.float32),
            jax.ShapeDtypeStruct((R // _TR, 2, 64), jnp.float32),
        ],
    )(Fg, Xg, nxyz16, W67)


def _layer_mid_body(z_ref, p_ref, w_ref, z1_ref, ps_ref):
    x = jax.nn.relu(z_ref[...] * p_ref[0][None, :] + p_ref[1][None, :])
    z1 = jnp.dot(x.astype(jnp.bfloat16), w_ref[...].astype(jnp.bfloat16),
                 preferred_element_type=jnp.float32)
    z1_ref[...] = z1
    ps_ref[...] = jnp.stack([jnp.sum(z1, axis=0), jnp.sum(z1 * z1, axis=0)])[None]


def _layer_mid(Z0, params0, W1_t):
    R = Z0.shape[0]
    grid = (R // _TR,)
    return pl.pallas_call(
        _layer_mid_body,
        grid=grid,
        in_specs=[
            pl.BlockSpec((_TR, 64), lambda i: (i, 0)),
            pl.BlockSpec((8, 64), lambda i: (0, 0)),
            pl.BlockSpec((64, 64), lambda i: (0, 0)),
        ],
        out_specs=[
            pl.BlockSpec((_TR, 64), lambda i: (i, 0)),
            pl.BlockSpec((1, 2, 64), lambda i: (i, 0, 0)),
        ],
        out_shape=[
            jax.ShapeDtypeStruct((R, 64), jnp.float32),
            jax.ShapeDtypeStruct((R // _TR, 2, 64), jnp.float32),
        ],
    )(Z0, params0, W1_t)


def _layer_last_body(z_ref, p_ref, w_ref, m_ref, ps_ref):
    x = jax.nn.relu(z_ref[...] * p_ref[0][None, :] + p_ref[1][None, :])
    z2 = jnp.dot(x.astype(jnp.bfloat16), w_ref[...].astype(jnp.bfloat16),
                 preferred_element_type=jnp.float32)
    ps_ref[...] = jnp.stack([jnp.sum(z2, axis=0), jnp.sum(z2 * z2, axis=0)])[None]
    m_ref[...] = jnp.max(z2.reshape(_TR // _NSAMPLE, _NSAMPLE, 128), axis=1)


def _layer_last(Z1, params1, W2_t):
    R = Z1.shape[0]
    grid = (R // _TR,)
    G = _TR // _NSAMPLE
    return pl.pallas_call(
        _layer_last_body,
        grid=grid,
        in_specs=[
            pl.BlockSpec((_TR, 64), lambda i: (i, 0)),
            pl.BlockSpec((8, 64), lambda i: (0, 0)),
            pl.BlockSpec((64, 128), lambda i: (0, 0)),
        ],
        out_specs=[
            pl.BlockSpec((G, 128), lambda i: (i, 0)),
            pl.BlockSpec((1, 2, 128), lambda i: (i, 0, 0)),
        ],
        out_shape=[
            jax.ShapeDtypeStruct((R // _NSAMPLE, 128), jnp.float32),
            jax.ShapeDtypeStruct((R // _TR, 2, 128), jnp.float32),
        ],
    )(Z1, params1, W2_t)


_TS_OUT = 256


def _finalize_body(m_ref, p_ref, o_ref):
    y = jax.nn.relu(m_ref[...] * p_ref[0][None, :] + p_ref[1][None, :])
    o_ref[...] = y.T[None]


def _finalize(M, params2, B, S):
    grid = (B, S // _TS_OUT)
    return pl.pallas_call(
        _finalize_body,
        grid=grid,
        in_specs=[
            pl.BlockSpec((_TS_OUT, 128), lambda b, j: (b * (S // _TS_OUT) + j, 0)),
            pl.BlockSpec((8, 128), lambda b, j: (0, 0)),
        ],
        out_specs=pl.BlockSpec((1, 128, _TS_OUT), lambda b, j: (b, 0, j)),
        out_shape=jax.ShapeDtypeStruct((B, 128, S), jnp.float32),
    )(M, params2)


def _bn_params(psum, count, g, be, cout):
    s = jnp.sum(psum, axis=0)
    mean = s[0] / count
    var = s[1] / count - mean * mean
    inv = g * jax.lax.rsqrt(var + _EPS)
    a = inv
    c = be - mean * inv
    pad = jnp.zeros((6, cout), jnp.float32)
    return jnp.concatenate([a[None], c[None], pad], axis=0)


def kernel(xyz, points, W0, b0, g0, be0, W1, b1, g1, be1, W2, b2, g2, be2):
    B, _, N = xyz.shape
    C = points.shape[1]
    S, K = _NPOINT, _NSAMPLE
    R = B * S * K

    fps_idx, nxx, nxy, nxz, s1 = _fps_pallas(xyz)
    new_xyz_t = jnp.stack([nxx, nxy, nxz], axis=1)

    zero = jnp.zeros_like(s1)
    cpack = jnp.stack(
        [nxx, nxy, nxz, zero, zero, zero, zero, s1],
        axis=-1)
    idx = _sqsel(cpack, xyz)

    pts_rows = jnp.transpose(points, (0, 2, 1)).reshape(B * N, C)
    xyz_rows = jnp.transpose(xyz, (0, 2, 1)).reshape(B * N, 3)
    xyz16 = jnp.concatenate(
        [xyz_rows, jnp.zeros((B * N, 13), jnp.float32)], axis=1)

    Fg, Xg = _sc_gather(idx.reshape(R), pts_rows, xyz16)

    nxyz16 = jnp.stack(
        [nxx, nxy, nxz] + [zero] * 13, axis=-1).reshape(B * S, 16)
    Z0, ps0 = _layer0(Fg, Xg, nxyz16, W0.T)
    p0 = _bn_params(ps0, R, g0, be0, 64)
    Z1, ps1 = _layer_mid(Z0, p0, W1.T)
    p1 = _bn_params(ps1, R, g1, be1, 64)
    M, ps2 = _layer_last(Z1, p1, W2.T)
    p2 = _bn_params(ps2, R, g2, be2, 128)
    new_points = _finalize(M, p2, B, S)

    return (new_xyz_t, new_points)

# --- scband reference (transcript-rebuilt; emitter-appended) ---
"""Pipeline reference for scband-set-abstraction-28587302322365 (READ-ONLY COPY).

The authoritative reference and input builder live on the scoring server;
editing this copy changes nothing except your own understanding.
"""

import jax, jax.numpy as jnp
import numpy as np

NPOINT = 1024
RADIUS = 0.4
NSAMPLE = 32
EPS = 1e-5


def farthest_point_sample(xyz, npoint):
    B, N, _ = xyz.shape
    def body(i, state):
        centroids, distance, farthest = state
        centroids = centroids.at[:, i].set(farthest)
        centroid = xyz[jnp.arange(B), farthest, :][:, None, :]
        dist = jnp.sum((xyz - centroid) ** 2, axis=-1)
        distance = jnp.minimum(distance, dist)
        farthest = jnp.argmax(distance, axis=-1).astype(jnp.int32)
        return (centroids, distance, farthest)
    centroids = jnp.zeros((B, npoint), dtype=jnp.int32)
    distance = jnp.full((B, N), 1e10, dtype=jnp.float32)
    farthest = jnp.zeros((B,), dtype=jnp.int32)  # deterministic start (torch uses randint)
    centroids, _, _ = jax.lax.fori_loop(0, npoint, body, (centroids, distance, farthest))
    return centroids


def index_points(points, idx):
    return jax.vmap(lambda p, i: p[i])(points, idx)


def square_distance(src, dst):
    d = (jnp.sum(src ** 2, -1)[:, :, None] + jnp.sum(dst ** 2, -1)[:, None, :]
         - 2.0 * jnp.einsum('bsc,bnc->bsn', src, dst))
    return jnp.maximum(d, 0.0)


def query_ball_point(radius, nsample, xyz, new_xyz):
    B, N, _ = xyz.shape
    S = new_xyz.shape[1]
    group_idx = jnp.broadcast_to(jnp.arange(N, dtype=jnp.int32)[None, None, :], (B, S, N))
    sqrdists = square_distance(new_xyz, xyz)
    group_idx = jnp.where(sqrdists > radius ** 2, N, group_idx)
    group_idx = jnp.sort(group_idx, axis=-1)[:, :, :nsample]
    group_first = jnp.broadcast_to(group_idx[:, :, 0:1], (B, S, nsample))
    group_idx = jnp.where(group_idx == N, group_first, group_idx)
    return group_idx


def setup_inputs(seed: int = 0):
    key = jax.random.key(seed)
    ks = jax.random.split(key, 8)
    inp = {
        'xyz': jax.random.normal(ks[0], (8, 3, 4096), dtype=jnp.float32),
        'points': jax.random.normal(ks[1], (8, 64, 4096), dtype=jnp.float32),
    }
    chans = [67, 64, 64, 128]
    for i in range(3):
        cin, cout = chans[i], chans[i + 1]
        inp[f'W{i}'] = jax.random.normal(ks[2 + i], (cout, cin), dtype=jnp.float32) * (1.0 / np.sqrt(cin))
        inp[f'b{i}'] = jnp.zeros((cout,), dtype=jnp.float32)
        inp[f'g{i}'] = jnp.ones((cout,), dtype=jnp.float32)
        inp[f'be{i}'] = jnp.zeros((cout,), dtype=jnp.float32)
    return inp


def reference(xyz, points, W0, b0, g0, be0, W1, b1, g1, be1, W2, b2, g2, be2):
    xyz_t = jnp.transpose(xyz, (0, 2, 1))      # [B, N, 3]
    pts_t = jnp.transpose(points, (0, 2, 1))   # [B, N, C]
    fps_idx = farthest_point_sample(xyz_t, NPOINT)          # [B, S]
    new_xyz = index_points(xyz_t, fps_idx)                  # [B, S, 3]
    idx = query_ball_point(RADIUS, NSAMPLE, xyz_t, new_xyz)  # [B, S, K]
    grouped_xyz = index_points(xyz_t, idx) - new_xyz[:, :, None, :]  # [B, S, K, 3]
    grouped_points = index_points(pts_t, idx)                        # [B, S, K, C]
    grouped = jnp.concatenate([grouped_xyz, grouped_points], axis=-1)
    grouped = jnp.transpose(grouped, (0, 3, 1, 2))  # [B, Cin, S, K]
    for W, b, g, be in ((W0, b0, g0, be0), (W1, b1, g1, be1), (W2, b2, g2, be2)):
        grouped = jnp.einsum('bcsk,oc->bosk', grouped, W) + b[None, :, None, None]
        mean = jnp.mean(grouped, axis=(0, 2, 3), keepdims=True)
        var = jnp.mean((grouped - mean) ** 2, axis=(0, 2, 3), keepdims=True)
        grouped = g[None, :, None, None] * (grouped - mean) / jnp.sqrt(var + EPS) + be[None, :, None, None]
        grouped = jax.nn.relu(grouped)
    new_points = jnp.max(grouped, axis=3)  # [B, Cout, S]
    return (jnp.transpose(new_xyz, (0, 2, 1)), new_points)

if __name__ == "__main__":
    import jax
    _d = setup_inputs()
    print(jax.jit(kernel)(*tuple(_d.values())))

</pallas_src>

<mosaic_0001>
#map = affine_map<(d0, d1) -> (0)>
#map1 = affine_map<(d0, d1) -> (0, 0)>
module attributes {stable_mosaic.version = 14 : i64} {
  func.func @body(%arg0: i32, %arg1: i32, %arg2: memref<262144xi32, #tpu.memory_space<hbm>>, %arg3: memref<32768x64xf32, #tpu.memory_space<hbm>>, %arg4: memref<32768x16xf32, #tpu.memory_space<hbm>>, %arg5: memref<262144x64xf32, #tpu.memory_space<hbm>>, %arg6: memref<262144x16xf32, #tpu.memory_space<hbm>>, %arg7: memref<8192xi32, #tpu.memory_space<vmem>>, %arg8: memref<1024x64xf32, #tpu.memory_space<vmem>>, %arg9: memref<1024x16xf32, #tpu.memory_space<vmem>>, %arg10: memref<!tpu.dma_semaphore, #tpu.memory_space<semaphore_mem>>, %arg11: memref<!tpu.dma_semaphore, #tpu.memory_space<semaphore_mem>>) attributes {dimension_semantics = [#tpu.dimension_semantics<core_parallel>, #tpu.dimension_semantics<subcore_parallel>], iteration_bounds = array<i64: 2, 16>, scalar_prefetch = 0 : i64, scratch_operands = 5 : i64, tpu.core_type = #tpu.core_type<sc_vector_subcore>, window_params = [{transform_indices = #map}, {transform_indices = #map1}, {transform_indices = #map1}, {transform_indices = #map1}, {transform_indices = #map1}]} {
    %mul3A = arith.constant 2 : i32
    %mul3A_0 = arith.muli %arg1, %mul3A : i32
    %add3A = arith.addi %mul3A_0, %arg0 : i32
    %mul3A_1 = arith.constant 8192 : i32
    %mul3A_2 = arith.muli %add3A, %mul3A_1 : i32
    %jit3A = arith.constant 32768 : i32
    %div3A = arith.divsi %mul3A_2, %jit3A : i32
    %sign3A = arith.constant 0 : i32
    %sign3A_3 = arith.cmpi sgt, %mul3A_2, %sign3A : i32
    %sign3A_4 = arith.extui %sign3A_3 : i1 to i32
    %sign3A_5 = arith.constant 0 : i32
    %sign3A_6 = arith.cmpi slt, %mul3A_2, %sign3A_5 : i32
    %sign3A_7 = arith.extui %sign3A_6 : i1 to i32
    %sign3A_8 = arith.subi %sign3A_4, %sign3A_7 : i32
    %sign3A_9 = arith.constant 0 : i32
    %sign3A_10 = arith.cmpi sgt, %jit3A, %sign3A_9 : i32
    %sign3A_11 = arith.extui %sign3A_10 : i1 to i32
    %sign3A_12 = arith.constant 0 : i32
    %sign3A_13 = arith.cmpi slt, %jit3A, %sign3A_12 : i32
    %sign3A_14 = arith.extui %sign3A_13 : i1 to i32
    %sign3A_15 = arith.subi %sign3A_11, %sign3A_14 : i32
    %ne3A = arith.cmpi ne, %sign3A_8, %sign3A_15 : i32
    %rem3A = arith.remsi %mul3A_2, %jit3A : i32
    %ne3A_16 = arith.constant 0 : i32
    %ne3A_17 = arith.cmpi ne, %rem3A, %ne3A_16 : i32
    %and3A = arith.andi %ne3A, %ne3A_17 : i1
    %sub3A = arith.constant 1 : i32
    %sub3A_18 = arith.subi %div3A, %sub3A : i32
    %select_n3A = arith.select %and3A, %sub3A_18, %div3A : i32
    %mul3A_19 = arith.constant 4096 : i32
    %mul3A_20 = arith.muli %select_n3A, %mul3A_19 : i32
    "tpu.region"() ({
      %run_scoped3A = tpu.sem_alloc : memref<!tpu.dma_semaphore, #tpu.memory_space<semaphore_mem>>
      %dma_start3A = tpu.memref_slice %arg2[%mul3A_2] : memref<262144xi32, #tpu.memory_space<hbm>> -> memref<8192xi32, #tpu.memory_space<hbm>>
      %dma_start3A_32 = tpu.memref_slice %arg2[%mul3A_2] : memref<262144xi32, #tpu.memory_space<hbm>> -> memref<8192xi32, #tpu.memory_space<hbm>>
      tpu.enqueue_dma source(%dma_start3A_32 : memref<8192xi32, #tpu.memory_space<hbm>>) target(%arg7 : memref<8192xi32, #tpu.memory_space<vmem>>) target_semaphore(%run_scoped3A : memref<!tpu.dma_semaphore, #tpu.memory_space<semaphore_mem>>)
      %dma_wait3A = tpu.memref_slice %arg2[%mul3A_2] : memref<262144xi32, #tpu.memory_space<hbm>> -> memref<8192xi32, #tpu.memory_space<hbm>>
      %dma_wait3A_33 = tpu.memref_slice %arg2[%mul3A_2] : memref<262144xi32, #tpu.memory_space<hbm>> -> memref<8192xi32, #tpu.memory_space<hbm>>
      tpu.wait_dma2 semaphore(%run_scoped3A : memref<!tpu.dma_semaphore, #tpu.memory_space<semaphore_mem>>) src(%dma_wait3A_33 : memref<8192xi32, #tpu.memory_space<hbm>>) dst(%arg7 : memref<8192xi32, #tpu.memory_space<vmem>>)
      tpu.yield
    }) : () -> ()
    %scan3A = arith.constant 0 : i32
    %scan3A_21 = arith.constant 0 : i32
    %scan3A_22 = arith.constant 512 : i32
    %scan3A_23 = arith.addi %scan3A_21, %scan3A_22 : i32
    %scan3A_24 = arith.constant 1 : i32
    scf.for %scan3A_32 = %scan3A_21 to %scan3A_23 step %scan3A_24  : i32 {
      %mul3A_33 = arith.constant 16 : i32
      %mul3A_34 = arith.muli %scan3A_32, %mul3A_33 : i32
      %get3A = arith.index_cast %mul3A_34 : i32 to index
      %get3A_35 = tpu.vector_load %arg7[%get3A] {strides = array<i32>} : memref<8192xi32, #tpu.memory_space<vmem>>, vector<16xi32>,
      %get3A_36 = vector.shape_cast %get3A_35 : vector<16xi32> to vector<16xi32>
      %add3A_37 = vector.broadcast %mul3A_20 : i32 to vector<16xi32>
      %add3A_38 = arith.addi %get3A_36, %add3A_37 : vector<16xi32>
      %mul3A_39 = arith.constant 16 : i32
      %mul3A_40 = arith.muli %scan3A_32, %mul3A_39 : i32
      %swap3A = arith.index_cast %mul3A_40 : i32 to index
      %swap3A_41 = tpu.vector_load %arg7[%swap3A] {strides = array<i32>} : memref<8192xi32, #tpu.memory_space<vmem>>, vector<16xi32>,
      %swap3A_42 = vector.shape_cast %swap3A_41 : vector<16xi32> to vector<16xi32>
      %swap3A_43 = vector.shape_cast %add3A_38 : vector<16xi32> to vector<16xi32>
      tpu.vector_store %arg7[%swap3A], %swap3A_43 {strides = array<i32>} : memref<8192xi32, #tpu.memory_space<vmem>>, vector<16xi32>,
    }
    %scan3A_25 = arith.constant 512 : i32
    %scan3A_26 = arith.constant 0 : i32
    %scan3A_27 = arith.constant 0 : i32
    %scan3A_28 = arith.constant 8 : i32
    %scan3A_29 = arith.addi %scan3A_27, %scan3A_28 : i32
    %scan3A_30 = arith.constant 1 : i32
    scf.for %scan3A_32 = %scan3A_27 to %scan3A_29 step %scan3A_30  : i32 {
      %mul3A_33 = arith.constant 1024 : i32
      %mul3A_34 = arith.muli %scan3A_32, %mul3A_33 : i32
      %dma_start3A = tpu.memref_slice %arg7[%mul3A_34] : memref<8192xi32, #tpu.memory_space<vmem>> -> memref<1024xi32, #tpu.memory_space<vmem>>
      %dma_start3A_35 = arith.constant 0 : i32
      %dma_start3A_36 = arith.constant 0 : i32
      %dma_start3A_37 = tpu.memref_slice %arg3[%dma_start3A_35, %dma_start3A_36] : memref<32768x64xf32, #tpu.memory_space<hbm>> -> memref<32768x64xf32, #tpu.memory_space<hbm>>
      tpu.enqueue_indirect_dma source(%dma_start3A_37 : memref<32768x64xf32, #tpu.memory_space<hbm>>) target(%arg8 : memref<1024x64xf32, #tpu.memory_space<vmem>>) offsets(%dma_start3A : memref<1024xi32, #tpu.memory_space<vmem>>) semaphore(%arg10 : memref<!tpu.dma_semaphore, #tpu.memory_space<semaphore_mem>>)
      %dma_start3A_38 = tpu.memref_slice %arg7[%mul3A_34] : memref<8192xi32, #tpu.memory_space<vmem>> -> memref<1024xi32, #tpu.memory_space<vmem>>
      %dma_start3A_39 = arith.constant 0 : i32
      %dma_start3A_40 = arith.constant 0 : i32
      %dma_start3A_41 = tpu.memref_slice %arg4[%dma_start3A_39, %dma_start3A_40] : memref<32768x16xf32, #tpu.memory_space<hbm>> -> memref<32768x16xf32, #tpu.memory_space<hbm>>
      tpu.enqueue_indirect_dma source(%dma_start3A_41 : memref<32768x16xf32, #tpu.memory_space<hbm>>) target(%arg9 : memref<1024x16xf32, #tpu.memory_space<vmem>>) offsets(%dma_start3A_38 : memref<1024xi32, #tpu.memory_space<vmem>>) semaphore(%arg11 : memref<!tpu.dma_semaphore, #tpu.memory_space<semaphore_mem>>)
      %dma_wait3A = tpu.memref_slice %arg7[%mul3A_34] : memref<8192xi32, #tpu.memory_space<vmem>> -> memref<1024xi32, #tpu.memory_space<vmem>>
      %dma_wait3A_42 = arith.constant 0 : i32
      %dma_wait3A_43 = arith.constant 0 : i32
      %dma_wait3A_44 = tpu.memref_slice %arg3[%dma_wait3A_42, %dma_wait3A_43] : memref<32768x64xf32, #tpu.memory_space<hbm>> -> memref<32768x64xf32, #tpu.memory_space<hbm>>
      tpu.wait_indirect_dma semaphore(%arg10 : memref<!tpu.dma_semaphore, #tpu.memory_space<semaphore_mem>>) src(%dma_wait3A_44 : memref<32768x64xf32, #tpu.memory_space<hbm>>) dst(%arg8 : memref<1024x64xf32, #tpu.memory_space<vmem>>)
      %dma_wait3A_45 = tpu.memref_slice %arg7[%mul3A_34] : memref<8192xi32, #tpu.memory_space<vmem>> -> memref<1024xi32, #tpu.memory_space<vmem>>
      %dma_wait3A_46 = arith.constant 0 : i32
      %dma_wait3A_47 = arith.constant 0 : i32
      %dma_wait3A_48 = tpu.memref_slice %arg4[%dma_wait3A_46, %dma_wait3A_47] : memref<32768x16xf32, #tpu.memory_space<hbm>> -> memref<32768x16xf32, #tpu.memory_space<hbm>>
      tpu.wait_indirect_dma semaphore(%arg11 : memref<!tpu.dma_semaphore, #tpu.memory_space<semaphore_mem>>) src(%dma_wait3A_48 : memref<32768x16xf32, #tpu.memory_space<hbm>>) dst(%arg9 : memref<1024x16xf32, #tpu.memory_space<vmem>>)
      %mul3A_49 = arith.constant 1024 : i32
      %mul3A_50 = arith.muli %scan3A_32, %mul3A_49 : i32
      %add3A_51 = arith.addi %mul3A_2, %mul3A_50 : i32
      "tpu.region"() ({
        %run_scoped3A = tpu.sem_alloc : memref<!tpu.dma_semaphore, #tpu.memory_space<semaphore_mem>>
        %dma_start3A_52 = arith.constant 0 : i32
        %dma_start3A_53 = tpu.memref_slice %arg5[%add3A_51, %dma_start3A_52] : memref<262144x64xf32, #tpu.memory_space<hbm>> -> memref<1024x64xf32, #tpu.memory_space<hbm>>
        %dma_start3A_54 = arith.constant 0 : i32
        %dma_start3A_55 = tpu.memref_slice %arg5[%add3A_51, %dma_start3A_54] : memref<262144x64xf32, #tpu.memory_space<hbm>> -> memref<1024x64xf32, #tpu.memory_space<hbm>>
        tpu.enqueue_dma source(%arg8 : memref<1024x64xf32, #tpu.memory_space<vmem>>) target(%dma_start3A_55 : memref<1024x64xf32, #tpu.memory_space<hbm>>) target_semaphore(%run_scoped3A : memref<!tpu.dma_semaphore, #tpu.memory_space<semaphore_mem>>)
        %dma_wait3A_56 = arith.constant 0 : i32
        %dma_wait3A_57 = tpu.memref_slice %arg5[%add3A_51, %dma_wait3A_56] : memref<262144x64xf32, #tpu.memory_space<hbm>> -> memref<1024x64xf32, #tpu.memory_space<hbm>>
        %dma_wait3A_58 = arith.constant 0 : i32
        %dma_wait3A_59 = tpu.memref_slice %arg5[%add3A_51, %dma_wait3A_58] : memref<262144x64xf32, #tpu.memory_space<hbm>> -> memref<1024x64xf32, #tpu.memory_space<hbm>>
        tpu.wait_dma2 semaphore(%run_scoped3A : memref<!tpu.dma_semaphore, #tpu.memory_space<semaphore_mem>>) src(%arg8 : memref<1024x64xf32, #tpu.memory_space<vmem>>) dst(%dma_wait3A_59 : memref<1024x64xf32, #tpu.memory_space<hbm>>)
        tpu.yield
      }) : () -> ()
      "tpu.region"() ({
        %run_scoped3A = tpu.sem_alloc : memref<!tpu.dma_semaphore, #tpu.memory_space<semaphore_mem>>
        %dma_start3A_52 = arith.constant 0 : i32
        %dma_start3A_53 = tpu.memref_slice %arg6[%add3A_51, %dma_start3A_52] : memref<262144x16xf32, #tpu.memory_space<hbm>> -> memref<1024x16xf32, #tpu.memory_space<hbm>>
        %dma_start3A_54 = arith.constant 0 : i32
        %dma_start3A_55 = tpu.memref_slice %arg6[%add3A_51, %dma_start3A_54] : memref<262144x16xf32, #tpu.memory_space<hbm>> -> memref<1024x16xf32, #tpu.memory_space<hbm>>
        tpu.enqueue_dma source(%arg9 : memref<1024x16xf32, #tpu.memory_space<vmem>>) target(%dma_start3A_55 : memref<1024x16xf32, #tpu.memory_space<hbm>>) target_semaphore(%run_scoped3A : memref<!tpu.dma_semaphore, #tpu.memory_space<semaphore_mem>>)
        %dma_wait3A_56 = arith.constant 0 : i32
        %dma_wait3A_57 = tpu.memref_slice %arg6[%add3A_51, %dma_wait3A_56] : memref<262144x16xf32, #tpu.memory_space<hbm>> -> memref<1024x16xf32, #tpu.memory_space<hbm>>
        %dma_wait3A_58 = arith.constant 0 : i32
        %dma_wait3A_59 = tpu.memref_slice %arg6[%add3A_51, %dma_wait3A_58] : memref<262144x16xf32, #tpu.memory_space<hbm>> -> memref<1024x16xf32, #tpu.memory_space<hbm>>
        tpu.wait_dma2 semaphore(%run_scoped3A : memref<!tpu.dma_semaphore, #tpu.memory_space<semaphore_mem>>) src(%arg9 : memref<1024x16xf32, #tpu.memory_space<vmem>>) dst(%dma_wait3A_59 : memref<1024x16xf32, #tpu.memory_space<hbm>>)
        tpu.yield
      }) : () -> ()
    }
    %scan3A_31 = arith.constant 8 : i32
    return
  }
}

module attributes {stable_mosaic.version = 14 : i64} {
  func.func @_fps_body(%arg0: i32, %arg1: memref<8x3x4096xf32, #tpu.memory_space<vmem>>, %arg2: memref<8x1024xi32, #tpu.memory_space<vmem>>, %arg3: memref<8x1024xf32, #tpu.memory_space<vmem>>, %arg4: memref<8x1024xf32, #tpu.memory_space<vmem>>, %arg5: memref<8x1024xf32, #tpu.memory_space<vmem>>, %arg6: memref<8x1024xf32, #tpu.memory_space<vmem>>) attributes {dimension_semantics = [#tpu.dimension_semantics<arbitrary>], iteration_bounds = array<i64: 1>, scalar_prefetch = 0 : i64, scratch_operands = 0 : i64, tpu.core_type = #tpu.core_type<tc>, window_params = [{pipeline_mode = #tpu.pipeline_mode<synchronous>, transform_indices = @transform_0, window_bounds = array<i64: 8, 3, 4096>}, {pipeline_mode = #tpu.pipeline_mode<synchronous>, transform_indices = @transform_1, window_bounds = array<i64: 8, 1024>}, {pipeline_mode = #tpu.pipeline_mode<synchronous>, transform_indices = @transform_2, window_bounds = array<i64: 8, 1024>}, {pipeline_mode = #tpu.pipeline_mode<synchronous>, transform_indices = @transform_3, window_bounds = array<i64: 8, 1024>}, {pipeline_mode = #tpu.pipeline_mode<synchronous>, transform_indices = @transform_4, window_bounds = array<i64: 8, 1024>}, {pipeline_mode = #tpu.pipeline_mode<synchronous>, transform_indices = @transform_5, window_bounds = array<i64: 8, 1024>}]} {
    %get3A = arith.constant 0 : index
    %get3A_0 = arith.constant 0 : index
    %get3A_1 = arith.constant 0 : index
    %get3A_2 = vector.load %arg1[%get3A, %get3A_0, %get3A_1] : memref<8x3x4096xf32, #tpu.memory_space<vmem>>, vector<8x1x4096xf32>
    %get3A_3 = vector.shape_cast %get3A_2 : vector<8x1x4096xf32> to vector<8x4096xf32>
    %get3A_4 = arith.constant 0 : index
    %get3A_5 = arith.constant 1 : index
    %get3A_6 = arith.constant 0 : index
    %get3A_7 = vector.load %arg1[%get3A_4, %get3A_5, %get3A_6] : memref<8x3x4096xf32, #tpu.memory_space<vmem>>, vector<8x1x4096xf32>
    %get3A_8 = vector.shape_cast %get3A_7 : vector<8x1x4096xf32> to vector<8x4096xf32>
    %get3A_9 = arith.constant 0 : index
    %get3A_10 = arith.constant 2 : index
    %get3A_11 = arith.constant 0 : index
    %get3A_12 = vector.load %arg1[%get3A_9, %get3A_10, %get3A_11] : memref<8x3x4096xf32, #tpu.memory_space<vmem>>, vector<8x1x4096xf32>
    %get3A_13 = vector.shape_cast %get3A_12 : vector<8x1x4096xf32> to vector<8x4096xf32>
    %iota3A = tpu.iota {dimensions = array<i32: 1>} : vector<8x4096xi32>
    %iota3A_14 = tpu.iota {dimensions = array<i32: 1>} : vector<8x1024xi32>
    %broadcast_in_dim3A = arith.constant 1.000000e+10 : f32
    %broadcast_in_dim3A_15 = vector.broadcast %broadcast_in_dim3A : f32 to vector<8x4096xf32>
    %mul3A = arith.constant 0.000000e+00 : f32
    %mul3A_16 = vector.broadcast %mul3A : f32 to vector<8x4096xf32>
    %mul3A_17 = arith.mulf %get3A_3, %mul3A_16 : vector<8x4096xf32>
    %add3A = arith.addf %broadcast_in_dim3A_15, %mul3A_17 : vector<8x4096xf32>
    %slice3A = vector.extract_strided_slice %get3A_3 {offsets = [0, 0], sizes = [8, 1], strides = [1, 1]} : vector<8x4096xf32> to vector<8x1xf32>
    %mul3A_18 = arith.constant 0.000000e+00 : f32
    %mul3A_19 = vector.broadcast %mul3A_18 : f32 to vector<8x1xf32>
    %mul3A_20 = arith.mulf %slice3A, %mul3A_19 : vector<8x1xf32>
    %convert_element_type3A = arith.fptosi %mul3A_20 : vector<8x1xf32> to vector<8x1xi32>
    %slice3A_21 = vector.extract_strided_slice %get3A_3 {offsets = [0, 0], sizes = [8, 1024], strides = [1, 1]} : vector<8x4096xf32> to vector<8x1024xf32>
    %mul3A_22 = arith.constant 0.000000e+00 : f32
    %mul3A_23 = vector.broadcast %mul3A_22 : f32 to vector<8x1024xf32>
    %mul3A_24 = arith.mulf %slice3A_21, %mul3A_23 : vector<8x1024xf32>
    %convert_element_type3A_25 = arith.fptosi %mul3A_24 : vector<8x1024xf32> to vector<8x1024xi32>
    %scan3A = arith.constant 0 : i32
    %scan3A_26 = arith.constant 1024 : i32
    %scan3A_27 = arith.addi %scan3A, %scan3A_26 : i32
    %scan3A_28 = arith.constant 1 : i32
    %scan3A_29:6 = scf.for %scan3A_50 = %scan3A to %scan3A_27 step %scan3A_28 iter_args(%scan3A_51 = %add3A, %scan3A_52 = %convert_element_type3A, %scan3A_53 = %convert_element_type3A_25, %scan3A_54 = %mul3A_24, %scan3A_55 = %mul3A_24, %scan3A_56 = %mul3A_24) -> (vector<8x4096xf32>, vector<8x1xi32>, vector<8x1024xi32>, vector<8x1024xf32>, vector<8x1024xf32>, vector<8x1024xf32>)  : i32 {
      %eq3A = vector.broadcast %scan3A_50 : i32 to vector<8x1024xi32>
      %eq3A_57 = arith.cmpi eq, %iota3A_14, %eq3A : vector<8x1024xi32>
      %broadcast_in_dim3A_58 = vector.shape_cast %scan3A_52 : vector<8x1xi32> to vector<8x1xi32>
      %broadcast_in_dim3A_59 = vector.broadcast %broadcast_in_dim3A_58 : vector<8x1xi32> to vector<8x1024xi32>
      %select_n3A = arith.select %eq3A_57, %broadcast_in_dim3A_59, %scan3A_53 : vector<8x1024xi1>, vector<8x1024xi32>
      %eq3A_60 = vector.broadcast %scan3A_52 : vector<8x1xi32> to vector<8x4096xi32>
      %eq3A_61 = arith.cmpi eq, %iota3A, %eq3A_60 : vector<8x4096xi32>
      %jit3A = arith.constant 0.000000e+00 : f32
      %broadcast_in_dim3A_62 = vector.broadcast %jit3A : f32 to vector<8x4096xf32>
      %select_n3A_63 = arith.select %eq3A_61, %get3A_3, %broadcast_in_dim3A_62 : vector<8x4096xi1>, vector<8x4096xf32>
      %reduce_sum3A = arith.constant dense<0.000000e+00> : vector<8xf32>
      %reduce_sum3A_64 = vector.multi_reduction <add>, %select_n3A_63, %reduce_sum3A [1] : vector<8x4096xf32> to vector<8xf32>
      %broadcast_in_dim3A_65 = vector.shape_cast %reduce_sum3A_64 : vector<8xf32> to vector<8x1xf32>
      %jit3A_66 = arith.constant 0.000000e+00 : f32
      %broadcast_in_dim3A_67 = vector.broadcast %jit3A_66 : f32 to vector<8x4096xf32>
      %select_n3A_68 = arith.select %eq3A_61, %get3A_8, %broadcast_in_dim3A_67 : vector<8x4096xi1>, vector<8x4096xf32>
      %reduce_sum3A_69 = arith.constant dense<0.000000e+00> : vector<8xf32>
      %reduce_sum3A_70 = vector.multi_reduction <add>, %select_n3A_68, %reduce_sum3A_69 [1] : vector<8x4096xf32> to vector<8xf32>
      %broadcast_in_dim3A_71 = vector.shape_cast %reduce_sum3A_70 : vector<8xf32> to vector<8x1xf32>
      %jit3A_72 = arith.constant 0.000000e+00 : f32
      %broadcast_in_dim3A_73 = vector.broadcast %jit3A_72 : f32 to vector<8x4096xf32>
      %select_n3A_74 = arith.select %eq3A_61, %get3A_13, %broadcast_in_dim3A_73 : vector<8x4096xi1>, vector<8x4096xf32>
      %reduce_sum3A_75 = arith.constant dense<0.000000e+00> : vector<8xf32>
      %reduce_sum3A_76 = vector.multi_reduction <add>, %select_n3A_74, %reduce_sum3A_75 [1] : vector<8x4096xf32> to vector<8xf32>
      %broadcast_in_dim3A_77 = vector.shape_cast %reduce_sum3A_76 : vector<8xf32> to vector<8x1xf32>
      %broadcast_in_dim3A_78 = vector.shape_cast %broadcast_in_dim3A_65 : vector<8x1xf32> to vector<8x1xf32>
      %broadcast_in_dim3A_79 = vector.broadcast %broadcast_in_dim3A_78 : vector<8x1xf32> to vector<8x1024xf32>
      %select_n3A_80 = arith.select %eq3A_57, %broadcast_in_dim3A_79, %scan3A_54 : vector<8x1024xi1>, vector<8x1024xf32>
      %broadcast_in_dim3A_81 = vector.shape_cast %broadcast_in_dim3A_71 : vector<8x1xf32> to vector<8x1xf32>
      %broadcast_in_dim3A_82 = vector.broadcast %broadcast_in_dim3A_81 : vector<8x1xf32> to vector<8x1024xf32>
      %select_n3A_83 = arith.select %eq3A_57, %broadcast_in_dim3A_82, %scan3A_55 : vector<8x1024xi1>, vector<8x1024xf32>
      %broadcast_in_dim3A_84 = vector.shape_cast %broadcast_in_dim3A_77 : vector<8x1xf32> to vector<8x1xf32>
      %broadcast_in_dim3A_85 = vector.broadcast %broadcast_in_dim3A_84 : vector<8x1xf32> to vector<8x1024xf32>
      %select_n3A_86 = arith.select %eq3A_57, %broadcast_in_dim3A_85, %scan3A_56 : vector<8x1024xi1>, vector<8x1024xf32>
      %sub3A = vector.broadcast %broadcast_in_dim3A_65 : vector<8x1xf32> to vector<8x4096xf32>
      %sub3A_87 = arith.subf %get3A_3, %sub3A : vector<8x4096xf32>
      %sub3A_88 = vector.broadcast %broadcast_in_dim3A_71 : vector<8x1xf32> to vector<8x4096xf32>
      %sub3A_89 = arith.subf %get3A_8, %sub3A_88 : vector<8x4096xf32>
      %sub3A_90 = vector.broadcast %broadcast_in_dim3A_77 : vector<8x1xf32> to vector<8x4096xf32>
      %sub3A_91 = arith.subf %get3A_13, %sub3A_90 : vector<8x4096xf32>
      %mul3A_92 = arith.mulf %sub3A_87, %sub3A_87 : vector<8x4096xf32>
      %mul3A_93 = arith.mulf %sub3A_91, %sub3A_91 : vector<8x4096xf32>
      %add3A_94 = arith.addf %mul3A_92, %mul3A_93 : vector<8x4096xf32>
      %mul3A_95 = arith.mulf %sub3A_89, %sub3A_89 : vector<8x4096xf32>
      %add3A_96 = arith.addf %add3A_94, %mul3A_95 : vector<8x4096xf32>
      %min3A = arith.minimumf %scan3A_51, %add3A_96 : vector<8x4096xf32>
      %reduce_max3A = arith.constant dense<0xFF800000> : vector<8xf32>
      %reduce_max3A_97 = vector.multi_reduction <maximumf>, %min3A, %reduce_max3A [1] : vector<8x4096xf32> to vector<8xf32>
      %broadcast_in_dim3A_98 = vector.shape_cast %reduce_max3A_97 : vector<8xf32> to vector<8x1xf32>
      %eq3A_99 = vector.broadcast %broadcast_in_dim3A_98 : vector<8x1xf32> to vector<8x4096xf32>
      %eq3A_100 = arith.cmpf oeq, %min3A, %eq3A_99 : vector<8x4096xf32>
      %jit3A_101 = arith.constant 4096 : i32
      %broadcast_in_dim3A_102 = vector.broadcast %jit3A_101 : i32 to vector<8x4096xi32>
      %select_n3A_103 = arith.select %eq3A_100, %iota3A, %broadcast_in_dim3A_102 : vector<8x4096xi1>, vector<8x4096xi32>
      %reduce_min3A = arith.constant dense<2147483647> : vector<8xi32>
      %reduce_min3A_104 = vector.multi_reduction <minsi>, %select_n3A_103, %reduce_min3A [1] : vector<8x4096xi32> to vector<8xi32>
      %broadcast_in_dim3A_105 = vector.shape_cast %reduce_min3A_104 : vector<8xi32> to vector<8x1xi32>
      scf.yield %min3A, %broadcast_in_dim3A_105, %select_n3A, %select_n3A_80, %select_n3A_83, %select_n3A_86 : vector<8x4096xf32>, vector<8x1xi32>, vector<8x1024xi32>, vector<8x1024xf32>, vector<8x1024xf32>, vector<8x1024xf32>
    }
    %scan3A_30 = arith.constant 1024 : i32
    %swap3A = arith.constant 0 : index
    %swap3A_31 = arith.constant 0 : index
    %swap3A_32 = vector.load %arg2[%swap3A, %swap3A_31] : memref<8x1024xi32, #tpu.memory_space<vmem>>, vector<8x1024xi32>
    tpu.vector_store %arg2[%swap3A, %swap3A_31], %scan3A_29#2 {strides = array<i32>} : memref<8x1024xi32, #tpu.memory_space<vmem>>, vector<8x1024xi32>,
    %swap3A_33 = arith.constant 0 : index
    %swap3A_34 = arith.constant 0 : index
    %swap3A_35 = vector.load %arg3[%swap3A_33, %swap3A_34] : memref<8x1024xf32, #tpu.memory_space<vmem>>, vector<8x1024xf32>
    tpu.vector_store %arg3[%swap3A_33, %swap3A_34], %scan3A_29#3 {strides = array<i32>} : memref<8x1024xf32, #tpu.memory_space<vmem>>, vector<8x1024xf32>,
    %swap3A_36 = arith.constant 0 : index
    %swap3A_37 = arith.constant 0 : index
    %swap3A_38 = vector.load %arg4[%swap3A_36, %swap3A_37] : memref<8x1024xf32, #tpu.memory_space<vmem>>, vector<8x1024xf32>
    tpu.vector_store %arg4[%swap3A_36, %swap3A_37], %scan3A_29#4 {strides = array<i32>} : memref<8x1024xf32, #tpu.memory_space<vmem>>, vector<8x1024xf32>,
    %swap3A_39 = arith.constant 0 : index
    %swap3A_40 = arith.constant 0 : index
    %swap3A_41 = vector.load %arg5[%swap3A_39, %swap3A_40] : memref<8x1024xf32, #tpu.memory_space<vmem>>, vector<8x1024xf32>
    tpu.vector_store %arg5[%swap3A_39, %swap3A_40], %scan3A_29#5 {strides = array<i32>} : memref<8x1024xf32, #tpu.memory_space<vmem>>, vector<8x1024xf32>,
    %mul3A_42 = arith.mulf %scan3A_29#3, %scan3A_29#3 : vector<8x1024xf32>
    %mul3A_43 = arith.mulf %scan3A_29#4, %scan3A_29#4 : vector<8x1024xf32>
    %add3A_44 = arith.addf %mul3A_42, %mul3A_43 : vector<8x1024xf32>
    %mul3A_45 = arith.mulf %scan3A_29#5, %scan3A_29#5 : vector<8x1024xf32>
    %add3A_46 = arith.addf %add3A_44, %mul3A_45 : vector<8x1024xf32>
    %swap3A_47 = arith.constant 0 : index
    %swap3A_48 = arith.constant 0 : index
    %swap3A_49 = vector.load %arg6[%swap3A_47, %swap3A_48] : memref<8x1024xf32, #tpu.memory_space<vmem>>, vector<8x1024xf32>
    tpu.vector_store %arg6[%swap3A_47, %swap3A_48], %add3A_46 {strides = array<i32>} : memref<8x1024xf32, #tpu.memory_space<vmem>>, vector<8x1024xf32>,
    return
  }
  func.func @transform_0(%arg0: i32) -> (i32, i32, i32) {
    %c0_i32 = arith.constant 0 : i32
    %c0_i32_0 = arith.constant 0 : i32
    %c0_i32_1 = arith.constant 0 : i32
    %c0_i32_2 = arith.constant 0 : i32
    return %c0_i32, %c0_i32_0, %c0_i32_1 : i32, i32, i32
  }
  func.func @transform_1(%arg0: i32) -> (i32, i32) {
    %c0_i32 = arith.constant 0 : i32
    %c0_i32_0 = arith.constant 0 : i32
    %c0_i32_1 = arith.constant 0 : i32
    return %c0_i32, %c0_i32_0 : i32, i32
  }
  func.func @transform_2(%arg0: i32) -> (i32, i32) {
    %c0_i32 = arith.constant 0 : i32
    %c0_i32_0 = arith.constant 0 : i32
    %c0_i32_1 = arith.constant 0 : i32
    return %c0_i32, %c0_i32_0 : i32, i32
  }
  func.func @transform_3(%arg0: i32) -> (i32, i32) {
    %c0_i32 = arith.constant 0 : i32
    %c0_i32_0 = arith.constant 0 : i32
    %c0_i32_1 = arith.constant 0 : i32
    return %c0_i32, %c0_i32_0 : i32, i32
  }
  func.func @transform_4(%arg0: i32) -> (i32, i32) {
    %c0_i32 = arith.constant 0 : i32
    %c0_i32_0 = arith.constant 0 : i32
    %c0_i32_1 = arith.constant 0 : i32
    return %c0_i32, %c0_i32_0 : i32, i32
  }
  func.func @transform_5(%arg0: i32) -> (i32, i32) {
    %c0_i32 = arith.constant 0 : i32
    %c0_i32_0 = arith.constant 0 : i32
    %c0_i32_1 = arith.constant 0 : i32
    return %c0_i32, %c0_i32_0 : i32, i32
  }
}

module attributes {stable_mosaic.version = 14 : i64} {
  func.func @_sqsel_body(%arg0: i32, %arg1: i32, %arg2: memref<1x256x8xf32, #tpu.memory_space<vmem>>, %arg3: memref<1x3x4096xf32, #tpu.memory_space<vmem>>, %arg4: memref<1x256x32xi32, #tpu.memory_space<vmem>>) attributes {dimension_semantics = [#tpu.dimension_semantics<arbitrary>, #tpu.dimension_semantics<arbitrary>], iteration_bounds = array<i64: 8, 4>, scalar_prefetch = 0 : i64, scratch_operands = 0 : i64, tpu.core_type = #tpu.core_type<tc>, window_params = [{transform_indices = @transform_0, window_bounds = array<i64: 1, 256, 8>}, {transform_indices = @transform_1, window_bounds = array<i64: 1, 3, 4096>}, {transform_indices = @transform_2, window_bounds = array<i64: 1, 256, 32>}]} {
    %get3A = arith.constant 0 : index
    %get3A_0 = arith.constant 0 : index
    %get3A_1 = arith.constant 0 : index
    %get3A_2 = vector.load %arg3[%get3A, %get3A_0, %get3A_1] : memref<1x3x4096xf32, #tpu.memory_space<vmem>>, vector<1x3x4096xf32>
    %get3A_3 = vector.shape_cast %get3A_2 : vector<1x3x4096xf32> to vector<3x4096xf32>
    %slice3A = vector.extract_strided_slice %get3A_3 {offsets = [0, 0], sizes = [1, 4096], strides = [1, 1]} : vector<3x4096xf32> to vector<1x4096xf32>
    %slice3A_4 = vector.extract_strided_slice %get3A_3 {offsets = [1, 0], sizes = [1, 4096], strides = [1, 1]} : vector<3x4096xf32> to vector<1x4096xf32>
    %slice3A_5 = vector.extract_strided_slice %get3A_3 {offsets = [2, 0], sizes = [1, 4096], strides = [1, 1]} : vector<3x4096xf32> to vector<1x4096xf32>
    %mul3A = arith.mulf %slice3A, %slice3A : vector<1x4096xf32>
    %mul3A_6 = arith.mulf %slice3A_4, %slice3A_4 : vector<1x4096xf32>
    %add3A = arith.addf %mul3A, %mul3A_6 : vector<1x4096xf32>
    %mul3A_7 = arith.mulf %slice3A_5, %slice3A_5 : vector<1x4096xf32>
    %add3A_8 = arith.addf %add3A, %mul3A_7 : vector<1x4096xf32>
    %get3A_9 = arith.constant 0 : index
    %get3A_10 = arith.constant 0 : index
    %get3A_11 = arith.constant 0 : index
    %get3A_12 = vector.load %arg2[%get3A_9, %get3A_10, %get3A_11] : memref<1x256x8xf32, #tpu.memory_space<vmem>>, vector<1x256x8xf32>
    %get3A_13 = vector.shape_cast %get3A_12 : vector<1x256x8xf32> to vector<256x8xf32>
    %slice3A_14 = vector.extract_strided_slice %get3A_13 {offsets = [0, 7], sizes = [256, 1], strides = [1, 1]} : vector<256x8xf32> to vector<256x1xf32>
    %convert_element_type3A = arith.truncf %get3A_13 : vector<256x8xf32> to vector<256x8xbf16>
    %broadcast_in_dim3A = arith.constant 0.000000e+00 : f32
    %broadcast_in_dim3A_15 = vector.broadcast %broadcast_in_dim3A : f32 to vector<5x4096xf32>
    %concatenate3A = tpu.concatenate %get3A_3, %broadcast_in_dim3A_15 in 0 : vector<3x4096xf32>, vector<5x4096xf32> -> vector<8x4096xf32>
    %convert_element_type3A_16 = arith.truncf %concatenate3A : vector<8x4096xf32> to vector<8x4096xbf16>
    %dot_general3A = arith.constant dense<0.000000e+00> : vector<256x4096xf32>
    %dot_general3A_17 = tpu.matmul %convert_element_type3A, %convert_element_type3A_16, %dot_general3A {dimension_numbers = #tpu.dot_dimension_numbers<[1], [0], [0], [1], [0, 0, 1, 1], [], []>, transpose_lhs_hint = false} : vector<256x8xbf16>, vector<8x4096xbf16>, vector<256x4096xf32> -> vector<256x4096xf32>
    %add3A_18 = vector.broadcast %slice3A_14 : vector<256x1xf32> to vector<256x4096xf32>
    %add3A_19 = vector.broadcast %add3A_8 : vector<1x4096xf32> to vector<256x4096xf32>
    %add3A_20 = arith.addf %add3A_18, %add3A_19 : vector<256x4096xf32>
    %mul3A_21 = arith.constant 2.000000e+00 : f32
    %mul3A_22 = vector.broadcast %mul3A_21 : f32 to vector<256x4096xf32>
    %mul3A_23 = arith.mulf %mul3A_22, %dot_general3A_17 : vector<256x4096xf32>
    %sub3A = arith.subf %add3A_20, %mul3A_23 : vector<256x4096xf32>
    %iota3A = tpu.iota {dimensions = array<i32: 1>} : vector<256x4096xi32>
    %le3A = arith.constant 1.600000e-01 : f32
    %le3A_24 = vector.broadcast %le3A : f32 to vector<256x4096xf32>
    %le3A_25 = arith.cmpf ole, %sub3A, %le3A_24 : vector<256x4096xf32>
    %jit3A = arith.constant 4096 : i32
    %broadcast_in_dim3A_26 = vector.broadcast %jit3A : i32 to vector<256x4096xi32>
    %select_n3A = arith.select %le3A_25, %iota3A, %broadcast_in_dim3A_26 : vector<256x4096xi1>, vector<256x4096xi32>
    %slice3A_27 = vector.extract_strided_slice %select_n3A {offsets = [0, 0], sizes = [256, 1], strides = [1, 1]} : vector<256x4096xi32> to vector<256x1xi32>
    %mul3A_28 = arith.constant 0 : i32
    %mul3A_29 = vector.broadcast %mul3A_28 : i32 to vector<256x1xi32>
    %mul3A_30 = arith.muli %slice3A_27, %mul3A_29 : vector<256x1xi32>
    %sub3A_31 = arith.constant 1 : i32
    %sub3A_32 = vector.broadcast %sub3A_31 : i32 to vector<256x1xi32>
    %sub3A_33 = arith.subi %mul3A_30, %sub3A_32 : vector<256x1xi32>
    %gt3A = vector.broadcast %sub3A_33 : vector<256x1xi32> to vector<256x4096xi32>
    %gt3A_34 = arith.cmpi sgt, %select_n3A, %gt3A : vector<256x4096xi32>
    %jit3A_35 = arith.constant 4096 : i32
    %broadcast_in_dim3A_36 = vector.broadcast %jit3A_35 : i32 to vector<256x4096xi32>
    %select_n3A_37 = arith.select %gt3A_34, %select_n3A, %broadcast_in_dim3A_36 : vector<256x4096xi1>, vector<256x4096xi32>
    %reduce_min3A = arith.constant dense<2147483647> : vector<256xi32>
    %reduce_min3A_38 = vector.multi_reduction <minsi>, %select_n3A_37, %reduce_min3A [1] : vector<256x4096xi32> to vector<256xi32>
    %broadcast_in_dim3A_39 = vector.shape_cast %reduce_min3A_38 : vector<256xi32> to vector<256x1xi32>
    %gt3A_40 = vector.broadcast %broadcast_in_dim3A_39 : vector<256x1xi32> to vector<256x4096xi32>
    %gt3A_41 = arith.cmpi sgt, %select_n3A, %gt3A_40 : vector<256x4096xi32>
    %jit3A_42 = arith.constant 4096 : i32
    %broadcast_in_dim3A_43 = vector.broadcast %jit3A_42 : i32 to vector<256x4096xi32>
    %select_n3A_44 = arith.select %gt3A_41, %select_n3A, %broadcast_in_dim3A_43 : vector<256x4096xi1>, vector<256x4096xi32>
    %reduce_min3A_45 = arith.constant dense<2147483647> : vector<256xi32>
    %reduce_min3A_46 = vector.multi_reduction <minsi>, %select_n3A_44, %reduce_min3A_45 [1] : vector<256x4096xi32> to vector<256xi32>
    %broadcast_in_dim3A_47 = vector.shape_cast %reduce_min3A_46 : vector<256xi32> to vector<256x1xi32>
    %gt3A_48 = vector.broadcast %broadcast_in_dim3A_47 : vector<256x1xi32> to vector<256x4096xi32>
    %gt3A_49 = arith.cmpi sgt, %select_n3A, %gt3A_48 : vector<256x4096xi32>
    %jit3A_50 = arith.constant 4096 : i32
    %broadcast_in_dim3A_51 = vector.broadcast %jit3A_50 : i32 to vector<256x4096xi32>
    %select_n3A_52 = arith.select %gt3A_49, %select_n3A, %broadcast_in_dim3A_51 : vector<256x4096xi1>, vector<256x4096xi32>
    %reduce_min3A_53 = arith.constant dense<2147483647> : vector<256xi32>
    %reduce_min3A_54 = vector.multi_reduction <minsi>, %select_n3A_52, %reduce_min3A_53 [1] : vector<256x4096xi32> to vector<256xi32>
    %broadcast_in_dim3A_55 = vector.shape_cast %reduce_min3A_54 : vector<256xi32> to vector<256x1xi32>
    %gt3A_56 = vector.broadcast %broadcast_in_dim3A_55 : vector<256x1xi32> to vector<256x4096xi32>
    %gt3A_57 = arith.cmpi sgt, %select_n3A, %gt3A_56 : vector<256x4096xi32>
    %jit3A_58 = arith.constant 4096 : i32
    %broadcast_in_dim3A_59 = vector.broadcast %jit3A_58 : i32 to vector<256x4096xi32>
    %select_n3A_60 = arith.select %gt3A_57, %select_n3A, %broadcast_in_dim3A_59 : vector<256x4096xi1>, vector<256x4096xi32>
    %reduce_min3A_61 = arith.constant dense<2147483647> : vector<256xi32>
    %reduce_min3A_62 = vector.multi_reduction <minsi>, %select_n3A_60, %reduce_min3A_61 [1] : vector<256x4096xi32> to vector<256xi32>
    %broadcast_in_dim3A_63 = vector.shape_cast %reduce_min3A_62 : vector<256xi32> to vector<256x1xi32>
    %gt3A_64 = vector.broadcast %broadcast_in_dim3A_63 : vector<256x1xi32> to vector<256x4096xi32>
    %gt3A_65 = arith.cmpi sgt, %select_n3A, %gt3A_64 : vector<256x4096xi32>
    %jit3A_66 = arith.constant 4096 : i32
    %broadcast_in_dim3A_67 = vector.broadcast %jit3A_66 : i32 to vector<256x4096xi32>
    %select_n3A_68 = arith.select %gt3A_65, %select_n3A, %broadcast_in_dim3A_67 : vector<256x4096xi1>, vector<256x4096xi32>
    %reduce_min3A_69 = arith.constant dense<2147483647> : vector<256xi32>
    %reduce_min3A_70 = vector.multi_reduction <minsi>, %select_n3A_68, %reduce_min3A_69 [1] : vector<256x4096xi32> to vector<256xi32>
    %broadcast_in_dim3A_71 = vector.shape_cast %reduce_min3A_70 : vector<256xi32> to vector<256x1xi32>
    %gt3A_72 = vector.broadcast %broadcast_in_dim3A_71 : vector<256x1xi32> to vector<256x4096xi32>
    %gt3A_73 = arith.cmpi sgt, %select_n3A, %gt3A_72 : vector<256x4096xi32>
    %jit3A_74 = arith.constant 4096 : i32
    %broadcast_in_dim3A_75 = vector.broadcast %jit3A_74 : i32 to vector<256x4096xi32>
    %select_n3A_76 = arith.select %gt3A_73, %select_n3A, %broadcast_in_dim3A_75 : vector<256x4096xi1>, vector<256x4096xi32>
    %reduce_min3A_77 = arith.constant dense<2147483647> : vector<256xi32>
    %reduce_min3A_78 = vector.multi_reduction <minsi>, %select_n3A_76, %reduce_min3A_77 [1] : vector<256x4096xi32> to vector<256xi32>
    %broadcast_in_dim3A_79 = vector.shape_cast %reduce_min3A_78 : vector<256xi32> to vector<256x1xi32>
    %gt3A_80 = vector.broadcast %broadcast_in_dim3A_79 : vector<256x1xi32> to vector<256x4096xi32>
    %gt3A_81 = arith.cmpi sgt, %select_n3A, %gt3A_80 : vector<256x4096xi32>
    %jit3A_82 = arith.constant 4096 : i32
    %broadcast_in_dim3A_83 = vector.broadcast %jit3A_82 : i32 to vector<256x4096xi32>
    %select_n3A_84 = arith.select %gt3A_81, %select_n3A, %broadcast_in_dim3A_83 : vector<256x4096xi1>, vector<256x4096xi32>
    %reduce_min3A_85 = arith.constant dense<2147483647> : vector<256xi32>
    %reduce_min3A_86 = vector.multi_reduction <minsi>, %select_n3A_84, %reduce_min3A_85 [1] : vector<256x4096xi32> to vector<256xi32>
    %broadcast_in_dim3A_87 = vector.shape_cast %reduce_min3A_86 : vector<256xi32> to vector<256x1xi32>
    %gt3A_88 = vector.broadcast %broadcast_in_dim3A_87 : vector<256x1xi32> to vector<256x4096xi32>
    %gt3A_89 = arith.cmpi sgt, %select_n3A, %gt3A_88 : vector<256x4096xi32>
    %jit3A_90 = arith.constant 4096 : i32
    %broadcast_in_dim3A_91 = vector.broadcast %jit3A_90 : i32 to vector<256x4096xi32>
    %select_n3A_92 = arith.select %gt3A_89, %select_n3A, %broadcast_in_dim3A_91 : vector<256x4096xi1>, vector<256x4096xi32>
    %reduce_min3A_93 = arith.constant dense<2147483647> : vector<256xi32>
    %reduce_min3A_94 = vector.multi_reduction <minsi>, %select_n3A_92, %reduce_min3A_93 [1] : vector<256x4096xi32> to vector<256xi32>
    %broadcast_in_dim3A_95 = vector.shape_cast %reduce_min3A_94 : vector<256xi32> to vector<256x1xi32>
    %gt3A_96 = vector.broadcast %broadcast_in_dim3A_95 : vector<256x1xi32> to vector<256x4096xi32>
    %gt3A_97 = arith.cmpi sgt, %select_n3A, %gt3A_96 : vector<256x4096xi32>
    %jit3A_98 = arith.constant 4096 : i32
    %broadcast_in_dim3A_99 = vector.broadcast %jit3A_98 : i32 to vector<256x4096xi32>
    %select_n3A_100 = arith.select %gt3A_97, %select_n3A, %broadcast_in_dim3A_99 : vector<256x4096xi1>, vector<256x4096xi32>
    %reduce_min3A_101 = arith.constant dense<2147483647> : vector<256xi32>
    %reduce_min3A_102 = vector.multi_reduction <minsi>, %select_n3A_100, %reduce_min3A_101 [1] : vector<256x4096xi32> to vector<256xi32>
    %broadcast_in_dim3A_103 = vector.shape_cast %reduce_min3A_102 : vector<256xi32> to vector<256x1xi32>
    %gt3A_104 = vector.broadcast %broadcast_in_dim3A_103 : vector<256x1xi32> to vector<256x4096xi32>
    %gt3A_105 = arith.cmpi sgt, %select_n3A, %gt3A_104 : vector<256x4096xi32>
    %jit3A_106 = arith.constant 4096 : i32
    %broadcast_in_dim3A_107 = vector.broadcast %jit3A_106 : i32 to vector<256x4096xi32>
    %select_n3A_108 = arith.select %gt3A_105, %select_n3A, %broadcast_in_dim3A_107 : vector<256x4096xi1>, vector<256x4096xi32>
    %reduce_min3A_109 = arith.constant dense<2147483647> : vector<256xi32>
    %reduce_min3A_110 = vector.multi_reduction <minsi>, %select_n3A_108, %reduce_min3A_109 [1] : vector<256x4096xi32> to vector<256xi32>
    %broadcast_in_dim3A_111 = vector.shape_cast %reduce_min3A_110 : vector<256xi32> to vector<256x1xi32>
    %gt3A_112 = vector.broadcast %broadcast_in_dim3A_111 : vector<256x1xi32> to vector<256x4096xi32>
    %gt3A_113 = arith.cmpi sgt, %select_n3A, %gt3A_112 : vector<256x4096xi32>
    %jit3A_114 = arith.constant 4096 : i32
    %broadcast_in_dim3A_115 = vector.broadcast %jit3A_114 : i32 to vector<256x4096xi32>
    %select_n3A_116 = arith.select %gt3A_113, %select_n3A, %broadcast_in_dim3A_115 : vector<256x4096xi1>, vector<256x4096xi32>
    %reduce_min3A_117 = arith.constant dense<2147483647> : vector<256xi32>
    %reduce_min3A_118 = vector.multi_reduction <minsi>, %select_n3A_116, %reduce_min3A_117 [1] : vector<256x4096xi32> to vector<256xi32>
    %broadcast_in_dim3A_119 = vector.shape_cast %reduce_min3A_118 : vector<256xi32> to vector<256x1xi32>
    %gt3A_120 = vector.broadcast %broadcast_in_dim3A_119 : vector<256x1xi32> to vector<256x4096xi32>
    %gt3A_121 = arith.cmpi sgt, %select_n3A, %gt3A_120 : vector<256x4096xi32>
    %jit3A_122 = arith.constant 4096 : i32
    %broadcast_in_dim3A_123 = vector.broadcast %jit3A_122 : i32 to vector<256x4096xi32>
    %select_n3A_124 = arith.select %gt3A_121, %select_n3A, %broadcast_in_dim3A_123 : vector<256x4096xi1>, vector<256x4096xi32>
    %reduce_min3A_125 = arith.constant dense<2147483647> : vector<256xi32>
    %reduce_min3A_126 = vector.multi_reduction <minsi>, %select_n3A_124, %reduce_min3A_125 [1] : vector<256x4096xi32> to vector<256xi32>
    %broadcast_in_dim3A_127 = vector.shape_cast %reduce_min3A_126 : vector<256xi32> to vector<256x1xi32>
    %gt3A_128 = vector.broadcast %broadcast_in_dim3A_127 : vector<256x1xi32> to vector<256x4096xi32>
    %gt3A_129 = arith.cmpi sgt, %select_n3A, %gt3A_128 : vector<256x4096xi32>
    %jit3A_130 = arith.constant 4096 : i32
    %broadcast_in_dim3A_131 = vector.broadcast %jit3A_130 : i32 to vector<256x4096xi32>
    %select_n3A_132 = arith.select %gt3A_129, %select_n3A, %broadcast_in_dim3A_131 : vector<256x4096xi1>, vector<256x4096xi32>
    %reduce_min3A_133 = arith.constant dense<2147483647> : vector<256xi32>
    %reduce_min3A_134 = vector.multi_reduction <minsi>, %select_n3A_132, %reduce_min3A_133 [1] : vector<256x4096xi32> to vector<256xi32>
    %broadcast_in_dim3A_135 = vector.shape_cast %reduce_min3A_134 : vector<256xi32> to vector<256x1xi32>
    %gt3A_136 = vector.broadcast %broadcast_in_dim3A_135 : vector<256x1xi32> to vector<256x4096xi32>
    %gt3A_137 = arith.cmpi sgt, %select_n3A, %gt3A_136 : vector<256x4096xi32>
    %jit3A_138 = arith.constant 4096 : i32
    %broadcast_in_dim3A_139 = vector.broadcast %jit3A_138 : i32 to vector<256x4096xi32>
    %select_n3A_140 = arith.select %gt3A_137, %select_n3A, %broadcast_in_dim3A_139 : vector<256x4096xi1>, vector<256x4096xi32>
    %reduce_min3A_141 = arith.constant dense<2147483647> : vector<256xi32>
    %reduce_min3A_142 = vector.multi_reduction <minsi>, %select_n3A_140, %reduce_min3A_141 [1] : vector<256x4096xi32> to vector<256xi32>
    %broadcast_in_dim3A_143 = vector.shape_cast %reduce_min3A_142 : vector<256xi32> to vector<256x1xi32>
    %gt3A_144 = vector.broadcast %broadcast_in_dim3A_143 : vector<256x1xi32> to vector<256x4096xi32>
    %gt3A_145 = arith.cmpi sgt, %select_n3A, %gt3A_144 : vector<256x4096xi32>
    %jit3A_146 = arith.constant 4096 : i32
    %broadcast_in_dim3A_147 = vector.broadcast %jit3A_146 : i32 to vector<256x4096xi32>
    %select_n3A_148 = arith.select %gt3A_145, %select_n3A, %broadcast_in_dim3A_147 : vector<256x4096xi1>, vector<256x4096xi32>
    %reduce_min3A_149 = arith.constant dense<2147483647> : vector<256xi32>
    %reduce_min3A_150 = vector.multi_reduction <minsi>, %select_n3A_148, %reduce_min3A_149 [1] : vector<256x4096xi32> to vector<256xi32>
    %broadcast_in_dim3A_151 = vector.shape_cast %reduce_min3A_150 : vector<256xi32> to vector<256x1xi32>
    %gt3A_152 = vector.broadcast %broadcast_in_dim3A_151 : vector<256x1xi32> to vector<256x4096xi32>
    %gt3A_153 = arith.cmpi sgt, %select_n3A, %gt3A_152 : vector<256x4096xi32>
    %jit3A_154 = arith.constant 4096 : i32
    %broadcast_in_dim3A_155 = vector.broadcast %jit3A_154 : i32 to vector<256x4096xi32>
    %select_n3A_156 = arith.select %gt3A_153, %select_n3A, %broadcast_in_dim3A_155 : vector<256x4096xi1>, vector<256x4096xi32>
    %reduce_min3A_157 = arith.constant dense<2147483647> : vector<256xi32>
    %reduce_min3A_158 = vector.multi_reduction <minsi>, %select_n3A_156, %reduce_min3A_157 [1] : vector<256x4096xi32> to vector<256xi32>
    %broadcast_in_dim3A_159 = vector.shape_cast %reduce_min3A_158 : vector<256xi32> to vector<256x1xi32>
    %gt3A_160 = vector.broadcast %broadcast_in_dim3A_159 : vector<256x1xi32> to vector<256x4096xi32>
    %gt3A_161 = arith.cmpi sgt, %select_n3A, %gt3A_160 : vector<256x4096xi32>
    %jit3A_162 = arith.constant 4096 : i32
    %broadcast_in_dim3A_163 = vector.broadcast %jit3A_162 : i32 to vector<256x4096xi32>
    %select_n3A_164 = arith.select %gt3A_161, %select_n3A, %broadcast_in_dim3A_163 : vector<256x4096xi1>, vector<256x4096xi32>
    %reduce_min3A_165 = arith.constant dense<2147483647> : vector<256xi32>
    %reduce_min3A_166 = vector.multi_reduction <minsi>, %select_n3A_164, %reduce_min3A_165 [1] : vector<256x4096xi32> to vector<256xi32>
    %broadcast_in_dim3A_167 = vector.shape_cast %reduce_min3A_166 : vector<256xi32> to vector<256x1xi32>
    %gt3A_168 = vector.broadcast %broadcast_in_dim3A_167 : vector<256x1xi32> to vector<256x4096xi32>
    %gt3A_169 = arith.cmpi sgt, %select_n3A, %gt3A_168 : vector<256x4096xi32>
    %jit3A_170 = arith.constant 4096 : i32
    %broadcast_in_dim3A_171 = vector.broadcast %jit3A_170 : i32 to vector<256x4096xi32>
    %select_n3A_172 = arith.select %gt3A_169, %select_n3A, %broadcast_in_dim3A_171 : vector<256x4096xi1>, vector<256x4096xi32>
    %reduce_min3A_173 = arith.constant dense<2147483647> : vector<256xi32>
    %reduce_min3A_174 = vector.multi_reduction <minsi>, %select_n3A_172, %reduce_min3A_173 [1] : vector<256x4096xi32> to vector<256xi32>
    %broadcast_in_dim3A_175 = vector.shape_cast %reduce_min3A_174 : vector<256xi32> to vector<256x1xi32>
    %gt3A_176 = vector.broadcast %broadcast_in_dim3A_175 : vector<256x1xi32> to vector<256x4096xi32>
    %gt3A_177 = arith.cmpi sgt, %select_n3A, %gt3A_176 : vector<256x4096xi32>
    %jit3A_178 = arith.constant 4096 : i32
    %broadcast_in_dim3A_179 = vector.broadcast %jit3A_178 : i32 to vector<256x4096xi32>
    %select_n3A_180 = arith.select %gt3A_177, %select_n3A, %broadcast_in_dim3A_179 : vector<256x4096xi1>, vector<256x4096xi32>
    %reduce_min3A_181 = arith.constant dense<2147483647> : vector<256xi32>
    %reduce_min3A_182 = vector.multi_reduction <minsi>, %select_n3A_180, %reduce_min3A_181 [1] : vector<256x4096xi32> to vector<256xi32>
    %broadcast_in_dim3A_183 = vector.shape_cast %reduce_min3A_182 : vector<256xi32> to vector<256x1xi32>
    %gt3A_184 = vector.broadcast %broadcast_in_dim3A_183 : vector<256x1xi32> to vector<256x4096xi32>
    %gt3A_185 = arith.cmpi sgt, %select_n3A, %gt3A_184 : vector<256x4096xi32>
    %jit3A_186 = arith.constant 4096 : i32
    %broadcast_in_dim3A_187 = vector.broadcast %jit3A_186 : i32 to vector<256x4096xi32>
    %select_n3A_188 = arith.select %gt3A_185, %select_n3A, %broadcast_in_dim3A_187 : vector<256x4096xi1>, vector<256x4096xi32>
    %reduce_min3A_189 = arith.constant dense<2147483647> : vector<256xi32>
    %reduce_min3A_190 = vector.multi_reduction <minsi>, %select_n3A_188, %reduce_min3A_189 [1] : vector<256x4096xi32> to vector<256xi32>
    %broadcast_in_dim3A_191 = vector.shape_cast %reduce_min3A_190 : vector<256xi32> to vector<256x1xi32>
    %gt3A_192 = vector.broadcast %broadcast_in_dim3A_191 : vector<256x1xi32> to vector<256x4096xi32>
    %gt3A_193 = arith.cmpi sgt, %select_n3A, %gt3A_192 : vector<256x4096xi32>
    %jit3A_194 = arith.constant 4096 : i32
    %broadcast_in_dim3A_195 = vector.broadcast %jit3A_194 : i32 to vector<256x4096xi32>
    %select_n3A_196 = arith.select %gt3A_193, %select_n3A, %broadcast_in_dim3A_195 : vector<256x4096xi1>, vector<256x4096xi32>
    %reduce_min3A_197 = arith.constant dense<2147483647> : vector<256xi32>
    %reduce_min3A_198 = vector.multi_reduction <minsi>, %select_n3A_196, %reduce_min3A_197 [1] : vector<256x4096xi32> to vector<256xi32>
    %broadcast_in_dim3A_199 = vector.shape_cast %reduce_min3A_198 : vector<256xi32> to vector<256x1xi32>
    %gt3A_200 = vector.broadcast %broadcast_in_dim3A_199 : vector<256x1xi32> to vector<256x4096xi32>
    %gt3A_201 = arith.cmpi sgt, %select_n3A, %gt3A_200 : vector<256x4096xi32>
    %jit3A_202 = arith.constant 4096 : i32
    %broadcast_in_dim3A_203 = vector.broadcast %jit3A_202 : i32 to vector<256x4096xi32>
    %select_n3A_204 = arith.select %gt3A_201, %select_n3A, %broadcast_in_dim3A_203 : vector<256x4096xi1>, vector<256x4096xi32>
    %reduce_min3A_205 = arith.constant dense<2147483647> : vector<256xi32>
    %reduce_min3A_206 = vector.multi_reduction <minsi>, %select_n3A_204, %reduce_min3A_205 [1] : vector<256x4096xi32> to vector<256xi32>
    %broadcast_in_dim3A_207 = vector.shape_cast %reduce_min3A_206 : vector<256xi32> to vector<256x1xi32>
    %gt3A_208 = vector.broadcast %broadcast_in_dim3A_207 : vector<256x1xi32> to vector<256x4096xi32>
    %gt3A_209 = arith.cmpi sgt, %select_n3A, %gt3A_208 : vector<256x4096xi32>
    %jit3A_210 = arith.constant 4096 : i32
    %broadcast_in_dim3A_211 = vector.broadcast %jit3A_210 : i32 to vector<256x4096xi32>
    %select_n3A_212 = arith.select %gt3A_209, %select_n3A, %broadcast_in_dim3A_211 : vector<256x4096xi1>, vector<256x4096xi32>
    %reduce_min3A_213 = arith.constant dense<2147483647> : vector<256xi32>
    %reduce_min3A_214 = vector.multi_reduction <minsi>, %select_n3A_212, %reduce_min3A_213 [1] : vector<256x4096xi32> to vector<256xi32>
    %broadcast_in_dim3A_215 = vector.shape_cast %reduce_min3A_214 : vector<256xi32> to vector<256x1xi32>
    %gt3A_216 = vector.broadcast %broadcast_in_dim3A_215 : vector<256x1xi32> to vector<256x4096xi32>
    %gt3A_217 = arith.cmpi sgt, %select_n3A, %gt3A_216 : vector<256x4096xi32>
    %jit3A_218 = arith.constant 4096 : i32
    %broadcast_in_dim3A_219 = vector.broadcast %jit3A_218 : i32 to vector<256x4096xi32>
    %select_n3A_220 = arith.select %gt3A_217, %select_n3A, %broadcast_in_dim3A_219 : vector<256x4096xi1>, vector<256x4096xi32>
    %reduce_min3A_221 = arith.constant dense<2147483647> : vector<256xi32>
    %reduce_min3A_222 = vector.multi_reduction <minsi>, %select_n3A_220, %reduce_min3A_221 [1] : vector<256x4096xi32> to vector<256xi32>
    %broadcast_in_dim3A_223 = vector.shape_cast %reduce_min3A_222 : vector<256xi32> to vector<256x1xi32>
    %gt3A_224 = vector.broadcast %broadcast_in_dim3A_223 : vector<256x1xi32> to vector<256x4096xi32>
    %gt3A_225 = arith.cmpi sgt, %select_n3A, %gt3A_224 : vector<256x4096xi32>
    %jit3A_226 = arith.constant 4096 : i32
    %broadcast_in_dim3A_227 = vector.broadcast %jit3A_226 : i32 to vector<256x4096xi32>
    %select_n3A_228 = arith.select %gt3A_225, %select_n3A, %broadcast_in_dim3A_227 : vector<256x4096xi1>, vector<256x4096xi32>
    %reduce_min3A_229 = arith.constant dense<2147483647> : vector<256xi32>
    %reduce_min3A_230 = vector.multi_reduction <minsi>, %select_n3A_228, %reduce_min3A_229 [1] : vector<256x4096xi32> to vector<256xi32>
    %broadcast_in_dim3A_231 = vector.shape_cast %reduce_min3A_230 : vector<256xi32> to vector<256x1xi32>
    %gt3A_232 = vector.broadcast %broadcast_in_dim3A_231 : vector<256x1xi32> to vector<256x4096xi32>
    %gt3A_233 = arith.cmpi sgt, %select_n3A, %gt3A_232 : vector<256x4096xi32>
    %jit3A_234 = arith.constant 4096 : i32
    %broadcast_in_dim3A_235 = vector.broadcast %jit3A_234 : i32 to vector<256x4096xi32>
    %select_n3A_236 = arith.select %gt3A_233, %select_n3A, %broadcast_in_dim3A_235 : vector<256x4096xi1>, vector<256x4096xi32>
    %reduce_min3A_237 = arith.constant dense<2147483647> : vector<256xi32>
    %reduce_min3A_238 = vector.multi_reduction <minsi>, %select_n3A_236, %reduce_min3A_237 [1] : vector<256x4096xi32> to vector<256xi32>
    %broadcast_in_dim3A_239 = vector.shape_cast %reduce_min3A_238 : vector<256xi32> to vector<256x1xi32>
    %gt3A_240 = vector.broadcast %broadcast_in_dim3A_239 : vector<256x1xi32> to vector<256x4096xi32>
    %gt3A_241 = arith.cmpi sgt, %select_n3A, %gt3A_240 : vector<256x4096xi32>
    %jit3A_242 = arith.constant 4096 : i32
    %broadcast_in_dim3A_243 = vector.broadcast %jit3A_242 : i32 to vector<256x4096xi32>
    %select_n3A_244 = arith.select %gt3A_241, %select_n3A, %broadcast_in_dim3A_243 : vector<256x4096xi1>, vector<256x4096xi32>
    %reduce_min3A_245 = arith.constant dense<2147483647> : vector<256xi32>
    %reduce_min3A_246 = vector.multi_reduction <minsi>, %select_n3A_244, %reduce_min3A_245 [1] : vector<256x4096xi32> to vector<256xi32>
    %broadcast_in_dim3A_247 = vector.shape_cast %reduce_min3A_246 : vector<256xi32> to vector<256x1xi32>
    %gt3A_248 = vector.broadcast %broadcast_in_dim3A_247 : vector<256x1xi32> to vector<256x4096xi32>
    %gt3A_249 = arith.cmpi sgt, %select_n3A, %gt3A_248 : vector<256x4096xi32>
    %jit3A_250 = arith.constant 4096 : i32
    %broadcast_in_dim3A_251 = vector.broadcast %jit3A_250 : i32 to vector<256x4096xi32>
    %select_n3A_252 = arith.select %gt3A_249, %select_n3A, %broadcast_in_dim3A_251 : vector<256x4096xi1>, vector<256x4096xi32>
    %reduce_min3A_253 = arith.constant dense<2147483647> : vector<256xi32>
    %reduce_min3A_254 = vector.multi_reduction <minsi>, %select_n3A_252, %reduce_min3A_253 [1] : vector<256x4096xi32> to vector<256xi32>
    %broadcast_in_dim3A_255 = vector.shape_cast %reduce_min3A_254 : vector<256xi32> to vector<256x1xi32>
    %gt3A_256 = vector.broadcast %broadcast_in_dim3A_255 : vector<256x1xi32> to vector<256x4096xi32>
    %gt3A_257 = arith.cmpi sgt, %select_n3A, %gt3A_256 : vector<256x4096xi32>
    %jit3A_258 = arith.constant 4096 : i32
    %broadcast_in_dim3A_259 = vector.broadcast %jit3A_258 : i32 to vector<256x4096xi32>
    %select_n3A_260 = arith.select %gt3A_257, %select_n3A, %broadcast_in_dim3A_259 : vector<256x4096xi1>, vector<256x4096xi32>
    %reduce_min3A_261 = arith.constant dense<2147483647> : vector<256xi32>
    %reduce_min3A_262 = vector.multi_reduction <minsi>, %select_n3A_260, %reduce_min3A_261 [1] : vector<256x4096xi32> to vector<256xi32>
    %broadcast_in_dim3A_263 = vector.shape_cast %reduce_min3A_262 : vector<256xi32> to vector<256x1xi32>
    %gt3A_264 = vector.broadcast %broadcast_in_dim3A_263 : vector<256x1xi32> to vector<256x4096xi32>
    %gt3A_265 = arith.cmpi sgt, %select_n3A, %gt3A_264 : vector<256x4096xi32>
    %jit3A_266 = arith.constant 4096 : i32
    %broadcast_in_dim3A_267 = vector.broadcast %jit3A_266 : i32 to vector<256x4096xi32>
    %select_n3A_268 = arith.select %gt3A_265, %select_n3A, %broadcast_in_dim3A_267 : vector<256x4096xi1>, vector<256x4096xi32>
    %reduce_min3A_269 = arith.constant dense<2147483647> : vector<256xi32>
    %reduce_min3A_270 = vector.multi_reduction <minsi>, %select_n3A_268, %reduce_min3A_269 [1] : vector<256x4096xi32> to vector<256xi32>
    %broadcast_in_dim3A_271 = vector.shape_cast %reduce_min3A_270 : vector<256xi32> to vector<256x1xi32>
    %gt3A_272 = vector.broadcast %broadcast_in_dim3A_271 : vector<256x1xi32> to vector<256x4096xi32>
    %gt3A_273 = arith.cmpi sgt, %select_n3A, %gt3A_272 : vector<256x4096xi32>
    %jit3A_274 = arith.constant 4096 : i32
    %broadcast_in_dim3A_275 = vector.broadcast %jit3A_274 : i32 to vector<256x4096xi32>
    %select_n3A_276 = arith.select %gt3A_273, %select_n3A, %broadcast_in_dim3A_275 : vector<256x4096xi1>, vector<256x4096xi32>
    %reduce_min3A_277 = arith.constant dense<2147483647> : vector<256xi32>
    %reduce_min3A_278 = vector.multi_reduction <minsi>, %select_n3A_276, %reduce_min3A_277 [1] : vector<256x4096xi32> to vector<256xi32>
    %broadcast_in_dim3A_279 = vector.shape_cast %reduce_min3A_278 : vector<256xi32> to vector<256x1xi32>
    %gt3A_280 = vector.broadcast %broadcast_in_dim3A_279 : vector<256x1xi32> to vector<256x4096xi32>
    %gt3A_281 = arith.cmpi sgt, %select_n3A, %gt3A_280 : vector<256x4096xi32>
    %jit3A_282 = arith.constant 4096 : i32
    %broadcast_in_dim3A_283 = vector.broadcast %jit3A_282 : i32 to vector<256x4096xi32>
    %select_n3A_284 = arith.select %gt3A_281, %select_n3A, %broadcast_in_dim3A_283 : vector<256x4096xi1>, vector<256x4096xi32>
    %reduce_min3A_285 = arith.constant dense<2147483647> : vector<256xi32>
    %reduce_min3A_286 = vector.multi_reduction <minsi>, %select_n3A_284, %reduce_min3A_285 [1] : vector<256x4096xi32> to vector<256xi32>
    %broadcast_in_dim3A_287 = vector.shape_cast %reduce_min3A_286 : vector<256xi32> to vector<256x1xi32>
    %concatenate3A_288 = tpu.concatenate %broadcast_in_dim3A_39, %broadcast_in_dim3A_47, %broadcast_in_dim3A_55, %broadcast_in_dim3A_63, %broadcast_in_dim3A_71, %broadcast_in_dim3A_79, %broadcast_in_dim3A_87, %broadcast_in_dim3A_95, %broadcast_in_dim3A_103, %broadcast_in_dim3A_111, %broadcast_in_dim3A_119, %broadcast_in_dim3A_127, %broadcast_in_dim3A_135, %broadcast_in_dim3A_143, %broadcast_in_dim3A_151, %broadcast_in_dim3A_159, %broadcast_in_dim3A_167, %broadcast_in_dim3A_175, %broadcast_in_dim3A_183, %broadcast_in_dim3A_191, %broadcast_in_dim3A_199, %broadcast_in_dim3A_207, %broadcast_in_dim3A_215, %broadcast_in_dim3A_223, %broadcast_in_dim3A_231, %broadcast_in_dim3A_239, %broadcast_in_dim3A_247, %broadcast_in_dim3A_255, %broadcast_in_dim3A_263, %broadcast_in_dim3A_271, %broadcast_in_dim3A_279, %broadcast_in_dim3A_287 in 1 : vector<256x1xi32>, vector<256x1xi32>, vector<256x1xi32>, vector<256x1xi32>, vector<256x1xi32>, vector<256x1xi32>, vector<256x1xi32>, vector<256x1xi32>, vector<256x1xi32>, vector<256x1xi32>, vector<256x1xi32>, vector<256x1xi32>, vector<256x1xi32>, vector<256x1xi32>, vector<256x1xi32>, vector<256x1xi32>, vector<256x1xi32>, vector<256x1xi32>, vector<256x1xi32>, vector<256x1xi32>, vector<256x1xi32>, vector<256x1xi32>, vector<256x1xi32>, vector<256x1xi32>, vector<256x1xi32>, vector<256x1xi32>, vector<256x1xi32>, vector<256x1xi32>, vector<256x1xi32>, vector<256x1xi32>, vector<256x1xi32>, vector<256x1xi32> -> vector<256x32xi32>
    %slice3A_289 = vector.extract_strided_slice %concatenate3A_288 {offsets = [0, 0], sizes = [256, 1], strides = [1, 1]} : vector<256x32xi32> to vector<256x1xi32>
    %eq3A = arith.constant 4096 : i32
    %eq3A_290 = vector.broadcast %eq3A : i32 to vector<256x32xi32>
    %eq3A_291 = arith.cmpi eq, %concatenate3A_288, %eq3A_290 : vector<256x32xi32>
    %broadcast_in_dim3A_292 = vector.shape_cast %slice3A_289 : vector<256x1xi32> to vector<256x1xi32>
    %broadcast_in_dim3A_293 = vector.broadcast %broadcast_in_dim3A_292 : vector<256x1xi32> to vector<256x32xi32>
    %select_n3A_294 = arith.select %eq3A_291, %broadcast_in_dim3A_293, %concatenate3A_288 : vector<256x32xi1>, vector<256x32xi32>
    %swap3A = arith.constant 0 : index
    %swap3A_295 = arith.constant 0 : index
    %swap3A_296 = arith.constant 0 : index
    %swap3A_297 = vector.load %arg4[%swap3A, %swap3A_295, %swap3A_296] : memref<1x256x32xi32, #tpu.memory_space<vmem>>, vector<1x256x32xi32>
    %swap3A_298 = vector.shape_cast %swap3A_297 : vector<1x256x32xi32> to vector<256x32xi32>
    %swap3A_299 = vector.shape_cast %select_n3A_294 : vector<256x32xi32> to vector<1x256x32xi32>
    tpu.vector_store %arg4[%swap3A, %swap3A_295, %swap3A_296], %swap3A_299 {strides = array<i32>} : memref<1x256x32xi32, #tpu.memory_space<vmem>>, vector<1x256x32xi32>,
    return
  }
  func.func @transform_0(%arg0: i32, %arg1: i32) -> (i32, i32, i32) {
    %c0_i32 = arith.constant 0 : i32
    %c0_i32_0 = arith.constant 0 : i32
    return %arg0, %arg1, %c0_i32 : i32, i32, i32
  }
  func.func @transform_1(%arg0: i32, %arg1: i32) -> (i32, i32, i32) {
    %c0_i32 = arith.constant 0 : i32
    %c0_i32_0 = arith.constant 0 : i32
    %c0_i32_1 = arith.constant 0 : i32
    return %arg0, %c0_i32, %c0_i32_0 : i32, i32, i32
  }
  func.func @transform_2(%arg0: i32, %arg1: i32) -> (i32, i32, i32) {
    %c0_i32 = arith.constant 0 : i32
    %c0_i32_0 = arith.constant 0 : i32
    return %arg0, %arg1, %c0_i32 : i32, i32, i32
  }
}

module attributes {stable_mosaic.version = 14 : i64} {
  func.func @_layer0_body(%arg0: i32, %arg1: memref<2048x64xf32, #tpu.memory_space<vmem>>, %arg2: memref<2048x16xf32, #tpu.memory_space<vmem>>, %arg3: memref<64x16xf32, #tpu.memory_space<vmem>>, %arg4: memref<67x64xf32, #tpu.memory_space<vmem>>, %arg5: memref<2048x64xf32, #tpu.memory_space<vmem>>, %arg6: memref<1x2x64xf32, #tpu.memory_space<vmem>>) attributes {dimension_semantics = [#tpu.dimension_semantics<arbitrary>], iteration_bounds = array<i64: 128>, scalar_prefetch = 0 : i64, scratch_operands = 0 : i64, tpu.core_type = #tpu.core_type<tc>, window_params = [{transform_indices = @transform_0, window_bounds = array<i64: 2048, 64>}, {transform_indices = @transform_1, window_bounds = array<i64: 2048, 16>}, {transform_indices = @transform_2, window_bounds = array<i64: 64, 16>}, {pipeline_mode = #tpu.pipeline_mode<synchronous>, transform_indices = @transform_3, window_bounds = array<i64: 67, 64>}, {transform_indices = @transform_4, window_bounds = array<i64: 2048, 64>}, {transform_indices = @transform_5, window_bounds = array<i64: 1, 2, 64>}]} {
    %get3A = arith.constant 0 : index
    %get3A_0 = arith.constant 0 : index
    %get3A_1 = vector.load %arg2[%get3A, %get3A_0] : memref<2048x16xf32, #tpu.memory_space<vmem>>, vector<2048x16xf32>
    %reshape3A = vector.shape_cast %get3A_1 : vector<2048x16xf32> to vector<64x32x16xf32>
    %get3A_2 = arith.constant 0 : index
    %get3A_3 = arith.constant 0 : index
    %get3A_4 = vector.load %arg3[%get3A_2, %get3A_3] : memref<64x16xf32, #tpu.memory_space<vmem>>, vector<64x16xf32>
    %broadcast_in_dim3A = vector.shape_cast %get3A_4 : vector<64x16xf32> to vector<64x1x16xf32>
    %sub3A = vector.broadcast %broadcast_in_dim3A : vector<64x1x16xf32> to vector<64x32x16xf32>
    %sub3A_5 = arith.subf %reshape3A, %sub3A : vector<64x32x16xf32>
    %reshape3A_6 = vector.shape_cast %sub3A_5 : vector<64x32x16xf32> to vector<2048x16xf32>
    %slice3A = vector.extract_strided_slice %reshape3A_6 {offsets = [0, 0], sizes = [2048, 3], strides = [1, 1]} : vector<2048x16xf32> to vector<2048x3xf32>
    %get3A_7 = arith.constant 0 : index
    %get3A_8 = arith.constant 0 : index
    %get3A_9 = vector.load %arg1[%get3A_7, %get3A_8] : memref<2048x64xf32, #tpu.memory_space<vmem>>, vector<2048x64xf32>
    %concatenate3A = tpu.concatenate %slice3A, %get3A_9 in 1 : vector<2048x3xf32>, vector<2048x64xf32> -> vector<2048x67xf32>
    %convert_element_type3A = arith.truncf %concatenate3A : vector<2048x67xf32> to vector<2048x67xbf16>
    %get3A_10 = arith.constant 0 : index
    %get3A_11 = arith.constant 0 : index
    %get3A_12 = vector.load %arg4[%get3A_10, %get3A_11] : memref<67x64xf32, #tpu.memory_space<vmem>>, vector<67x64xf32>
    %convert_element_type3A_13 = arith.truncf %get3A_12 : vector<67x64xf32> to vector<67x64xbf16>
    %dot_general3A = arith.constant dense<0.000000e+00> : vector<2048x64xf32>
    %dot_general3A_14 = tpu.matmul %convert_element_type3A, %convert_element_type3A_13, %dot_general3A {dimension_numbers = #tpu.dot_dimension_numbers<[1], [0], [0], [1], [0, 0, 1, 1], [], []>, transpose_lhs_hint = false} : vector<2048x67xbf16>, vector<67x64xbf16>, vector<2048x64xf32> -> vector<2048x64xf32>
    %swap3A = arith.constant 0 : index
    %swap3A_15 = arith.constant 0 : index
    %swap3A_16 = vector.load %arg5[%swap3A, %swap3A_15] : memref<2048x64xf32, #tpu.memory_space<vmem>>, vector<2048x64xf32>
    tpu.vector_store %arg5[%swap3A, %swap3A_15], %dot_general3A_14 {strides = array<i32>} : memref<2048x64xf32, #tpu.memory_space<vmem>>, vector<2048x64xf32>,
    %reduce_sum3A = arith.constant dense<0.000000e+00> : vector<64xf32>
    %reduce_sum3A_17 = vector.multi_reduction <add>, %dot_general3A_14, %reduce_sum3A [0] : vector<2048x64xf32> to vector<64xf32>
    %mul3A = arith.mulf %dot_general3A_14, %dot_general3A_14 : vector<2048x64xf32>
    %reduce_sum3A_18 = arith.constant dense<0.000000e+00> : vector<64xf32>
    %reduce_sum3A_19 = vector.multi_reduction <add>, %mul3A, %reduce_sum3A_18 [0] : vector<2048x64xf32> to vector<64xf32>
    %stack3A = vector.shape_cast %reduce_sum3A_17 : vector<64xf32> to vector<1x64xf32>
    %stack3A_20 = vector.shape_cast %reduce_sum3A_19 : vector<64xf32> to vector<1x64xf32>
    %stack3A_21 = tpu.concatenate %stack3A, %stack3A_20 in 0 : vector<1x64xf32>, vector<1x64xf32> -> vector<2x64xf32>
    %broadcast_in_dim3A_22 = vector.shape_cast %stack3A_21 : vector<2x64xf32> to vector<1x2x64xf32>
    %swap3A_23 = arith.constant 0 : index
    %swap3A_24 = arith.constant 0 : index
    %swap3A_25 = arith.constant 0 : index
    %swap3A_26 = vector.load %arg6[%swap3A_23, %swap3A_24, %swap3A_25] : memref<1x2x64xf32, #tpu.memory_space<vmem>>, vector<1x2x64xf32>
    tpu.vector_store %arg6[%swap3A_23, %swap3A_24, %swap3A_25], %broadcast_in_dim3A_22 {strides = array<i32>} : memref<1x2x64xf32, #tpu.memory_space<vmem>>, vector<1x2x64xf32>,
    return
  }
  func.func @transform_0(%arg0: i32) -> (i32, i32) {
    %c0_i32 = arith.constant 0 : i32
    %c0_i32_0 = arith.constant 0 : i32
    return %arg0, %c0_i32 : i32, i32
  }
  func.func @transform_1(%arg0: i32) -> (i32, i32) {
    %c0_i32 = arith.constant 0 : i32
    %c0_i32_0 = arith.constant 0 : i32
    return %arg0, %c0_i32 : i32, i32
  }
  func.func @transform_2(%arg0: i32) -> (i32, i32) {
    %c0_i32 = arith.constant 0 : i32
    %c0_i32_0 = arith.constant 0 : i32
    return %arg0, %c0_i32 : i32, i32
  }
  func.func @transform_3(%arg0: i32) -> (i32, i32) {
    %c0_i32 = arith.constant 0 : i32
    %c0_i32_0 = arith.constant 0 : i32
    %c0_i32_1 = arith.constant 0 : i32
    return %c0_i32, %c0_i32_0 : i32, i32
  }
  func.func @transform_4(%arg0: i32) -> (i32, i32) {
    %c0_i32 = arith.constant 0 : i32
    %c0_i32_0 = arith.constant 0 : i32
    return %arg0, %c0_i32 : i32, i32
  }
  func.func @transform_5(%arg0: i32) -> (i32, i32, i32) {
    %c0_i32 = arith.constant 0 : i32
    %c0_i32_0 = arith.constant 0 : i32
    %c0_i32_1 = arith.constant 0 : i32
    return %arg0, %c0_i32, %c0_i32_0 : i32, i32, i32
  }
}

module attributes {stable_mosaic.version = 14 : i64} {
  func.func @_layer_mid_body(%arg0: i32, %arg1: memref<2048x64xf32, #tpu.memory_space<vmem>>, %arg2: memref<8x64xf32, #tpu.memory_space<vmem>>, %arg3: memref<64x64xf32, #tpu.memory_space<vmem>>, %arg4: memref<2048x64xf32, #tpu.memory_space<vmem>>, %arg5: memref<1x2x64xf32, #tpu.memory_space<vmem>>) attributes {dimension_semantics = [#tpu.dimension_semantics<arbitrary>], iteration_bounds = array<i64: 128>, scalar_prefetch = 0 : i64, scratch_operands = 0 : i64, tpu.core_type = #tpu.core_type<tc>, window_params = [{transform_indices = @transform_0, window_bounds = array<i64: 2048, 64>}, {pipeline_mode = #tpu.pipeline_mode<synchronous>, transform_indices = @transform_1, window_bounds = array<i64: 8, 64>}, {pipeline_mode = #tpu.pipeline_mode<synchronous>, transform_indices = @transform_2, window_bounds = array<i64: 64, 64>}, {transform_indices = @transform_3, window_bounds = array<i64: 2048, 64>}, {transform_indices = @transform_4, window_bounds = array<i64: 1, 2, 64>}]} {
    %get3A = arith.constant 0 : index
    %get3A_0 = arith.constant 0 : index
    %get3A_1 = vector.load %arg1[%get3A, %get3A_0] : memref<2048x64xf32, #tpu.memory_space<vmem>>, vector<2048x64xf32>
    %get3A_2 = arith.constant 0 : index
    %get3A_3 = arith.constant 0 : index
    %get3A_4 = vector.load %arg2[%get3A_2, %get3A_3] : memref<8x64xf32, #tpu.memory_space<vmem>>, vector<1x64xf32>
    %get3A_5 = vector.shape_cast %get3A_4 : vector<1x64xf32> to vector<64xf32>
    %broadcast_in_dim3A = vector.shape_cast %get3A_5 : vector<64xf32> to vector<1x64xf32>
    %mul3A = vector.broadcast %broadcast_in_dim3A : vector<1x64xf32> to vector<2048x64xf32>
    %mul3A_6 = arith.mulf %get3A_1, %mul3A : vector<2048x64xf32>
    %get3A_7 = arith.constant 1 : index
    %get3A_8 = arith.constant 0 : index
    %get3A_9 = vector.load %arg2[%get3A_7, %get3A_8] : memref<8x64xf32, #tpu.memory_space<vmem>>, vector<1x64xf32>
    %get3A_10 = vector.shape_cast %get3A_9 : vector<1x64xf32> to vector<64xf32>
    %broadcast_in_dim3A_11 = vector.shape_cast %get3A_10 : vector<64xf32> to vector<1x64xf32>
    %add3A = vector.broadcast %broadcast_in_dim3A_11 : vector<1x64xf32> to vector<2048x64xf32>
    %add3A_12 = arith.addf %mul3A_6, %add3A : vector<2048x64xf32>
    %max3A = arith.constant 0.000000e+00 : f32
    %max3A_13 = vector.broadcast %max3A : f32 to vector<2048x64xf32>
    %max3A_14 = arith.maximumf %add3A_12, %max3A_13 : vector<2048x64xf32>
    %convert_element_type3A = arith.truncf %max3A_14 : vector<2048x64xf32> to vector<2048x64xbf16>
    %get3A_15 = arith.constant 0 : index
    %get3A_16 = arith.constant 0 : index
    %get3A_17 = vector.load %arg3[%get3A_15, %get3A_16] : memref<64x64xf32, #tpu.memory_space<vmem>>, vector<64x64xf32>
    %convert_element_type3A_18 = arith.truncf %get3A_17 : vector<64x64xf32> to vector<64x64xbf16>
    %dot_general3A = arith.constant dense<0.000000e+00> : vector<2048x64xf32>
    %dot_general3A_19 = tpu.matmul %convert_element_type3A, %convert_element_type3A_18, %dot_general3A {dimension_numbers = #tpu.dot_dimension_numbers<[1], [0], [0], [1], [0, 0, 1, 1], [], []>, transpose_lhs_hint = false} : vector<2048x64xbf16>, vector<64x64xbf16>, vector<2048x64xf32> -> vector<2048x64xf32>
    %swap3A = arith.constant 0 : index
    %swap3A_20 = arith.constant 0 : index
    %swap3A_21 = vector.load %arg4[%swap3A, %swap3A_20] : memref<2048x64xf32, #tpu.memory_space<vmem>>, vector<2048x64xf32>
    tpu.vector_store %arg4[%swap3A, %swap3A_20], %dot_general3A_19 {strides = array<i32>} : memref<2048x64xf32, #tpu.memory_space<vmem>>, vector<2048x64xf32>,
    %reduce_sum3A = arith.constant dense<0.000000e+00> : vector<64xf32>
    %reduce_sum3A_22 = vector.multi_reduction <add>, %dot_general3A_19, %reduce_sum3A [0] : vector<2048x64xf32> to vector<64xf32>
    %mul3A_23 = arith.mulf %dot_general3A_19, %dot_general3A_19 : vector<2048x64xf32>
    %reduce_sum3A_24 = arith.constant dense<0.000000e+00> : vector<64xf32>
    %reduce_sum3A_25 = vector.multi_reduction <add>, %mul3A_23, %reduce_sum3A_24 [0] : vector<2048x64xf32> to vector<64xf32>
    %stack3A = vector.shape_cast %reduce_sum3A_22 : vector<64xf32> to vector<1x64xf32>
    %stack3A_26 = vector.shape_cast %reduce_sum3A_25 : vector<64xf32> to vector<1x64xf32>
    %stack3A_27 = tpu.concatenate %stack3A, %stack3A_26 in 0 : vector<1x64xf32>, vector<1x64xf32> -> vector<2x64xf32>
    %broadcast_in_dim3A_28 = vector.shape_cast %stack3A_27 : vector<2x64xf32> to vector<1x2x64xf32>
    %swap3A_29 = arith.constant 0 : index
    %swap3A_30 = arith.constant 0 : index
    %swap3A_31 = arith.constant 0 : index
    %swap3A_32 = vector.load %arg5[%swap3A_29, %swap3A_30, %swap3A_31] : memref<1x2x64xf32, #tpu.memory_space<vmem>>, vector<1x2x64xf32>
    tpu.vector_store %arg5[%swap3A_29, %swap3A_30, %swap3A_31], %broadcast_in_dim3A_28 {strides = array<i32>} : memref<1x2x64xf32, #tpu.memory_space<vmem>>, vector<1x2x64xf32>,
    return
  }
  func.func @transform_0(%arg0: i32) -> (i32, i32) {
    %c0_i32 = arith.constant 0 : i32
    %c0_i32_0 = arith.constant 0 : i32
    return %arg0, %c0_i32 : i32, i32
  }
  func.func @transform_1(%arg0: i32) -> (i32, i32) {
    %c0_i32 = arith.constant 0 : i32
    %c0_i32_0 = arith.constant 0 : i32
    %c0_i32_1 = arith.constant 0 : i32
    return %c0_i32, %c0_i32_0 : i32, i32
  }
  func.func @transform_2(%arg0: i32) -> (i32, i32) {
    %c0_i32 = arith.constant 0 : i32
    %c0_i32_0 = arith.constant 0 : i32
    %c0_i32_1 = arith.constant 0 : i32
    return %c0_i32, %c0_i32_0 : i32, i32
  }
  func.func @transform_3(%arg0: i32) -> (i32, i32) {
    %c0_i32 = arith.constant 0 : i32
    %c0_i32_0 = arith.constant 0 : i32
    return %arg0, %c0_i32 : i32, i32
  }
  func.func @transform_4(%arg0: i32) -> (i32, i32, i32) {
    %c0_i32 = arith.constant 0 : i32
    %c0_i32_0 = arith.constant 0 : i32
    %c0_i32_1 = arith.constant 0 : i32
    return %arg0, %c0_i32, %c0_i32_0 : i32, i32, i32
  }
}

module attributes {stable_mosaic.version = 14 : i64} {
  func.func @_layer_last_body(%arg0: i32, %arg1: memref<2048x64xf32, #tpu.memory_space<vmem>>, %arg2: memref<8x64xf32, #tpu.memory_space<vmem>>, %arg3: memref<64x128xf32, #tpu.memory_space<vmem>>, %arg4: memref<64x128xf32, #tpu.memory_space<vmem>>, %arg5: memref<1x2x128xf32, #tpu.memory_space<vmem>>) attributes {dimension_semantics = [#tpu.dimension_semantics<arbitrary>], iteration_bounds = array<i64: 128>, scalar_prefetch = 0 : i64, scratch_operands = 0 : i64, tpu.core_type = #tpu.core_type<tc>, window_params = [{transform_indices = @transform_0, window_bounds = array<i64: 2048, 64>}, {pipeline_mode = #tpu.pipeline_mode<synchronous>, transform_indices = @transform_1, window_bounds = array<i64: 8, 64>}, {pipeline_mode = #tpu.pipeline_mode<synchronous>, transform_indices = @transform_2, window_bounds = array<i64: 64, 128>}, {transform_indices = @transform_3, window_bounds = array<i64: 64, 128>}, {transform_indices = @transform_4, window_bounds = array<i64: 1, 2, 128>}]} {
    %get3A = arith.constant 0 : index
    %get3A_0 = arith.constant 0 : index
    %get3A_1 = vector.load %arg1[%get3A, %get3A_0] : memref<2048x64xf32, #tpu.memory_space<vmem>>, vector<2048x64xf32>
    %get3A_2 = arith.constant 0 : index
    %get3A_3 = arith.constant 0 : index
    %get3A_4 = vector.load %arg2[%get3A_2, %get3A_3] : memref<8x64xf32, #tpu.memory_space<vmem>>, vector<1x64xf32>
    %get3A_5 = vector.shape_cast %get3A_4 : vector<1x64xf32> to vector<64xf32>
    %broadcast_in_dim3A = vector.shape_cast %get3A_5 : vector<64xf32> to vector<1x64xf32>
    %mul3A = vector.broadcast %broadcast_in_dim3A : vector<1x64xf32> to vector<2048x64xf32>
    %mul3A_6 = arith.mulf %get3A_1, %mul3A : vector<2048x64xf32>
    %get3A_7 = arith.constant 1 : index
    %get3A_8 = arith.constant 0 : index
    %get3A_9 = vector.load %arg2[%get3A_7, %get3A_8] : memref<8x64xf32, #tpu.memory_space<vmem>>, vector<1x64xf32>
    %get3A_10 = vector.shape_cast %get3A_9 : vector<1x64xf32> to vector<64xf32>
    %broadcast_in_dim3A_11 = vector.shape_cast %get3A_10 : vector<64xf32> to vector<1x64xf32>
    %add3A = vector.broadcast %broadcast_in_dim3A_11 : vector<1x64xf32> to vector<2048x64xf32>
    %add3A_12 = arith.addf %mul3A_6, %add3A : vector<2048x64xf32>
    %max3A = arith.constant 0.000000e+00 : f32
    %max3A_13 = vector.broadcast %max3A : f32 to vector<2048x64xf32>
    %max3A_14 = arith.maximumf %add3A_12, %max3A_13 : vector<2048x64xf32>
    %convert_element_type3A = arith.truncf %max3A_14 : vector<2048x64xf32> to vector<2048x64xbf16>
    %get3A_15 = arith.constant 0 : index
    %get3A_16 = arith.constant 0 : index
    %get3A_17 = vector.load %arg3[%get3A_15, %get3A_16] : memref<64x128xf32, #tpu.memory_space<vmem>>, vector<64x128xf32>
    %convert_element_type3A_18 = arith.truncf %get3A_17 : vector<64x128xf32> to vector<64x128xbf16>
    %dot_general3A = arith.constant dense<0.000000e+00> : vector<2048x128xf32>
    %dot_general3A_19 = tpu.matmul %convert_element_type3A, %convert_element_type3A_18, %dot_general3A {dimension_numbers = #tpu.dot_dimension_numbers<[1], [0], [0], [1], [0, 0, 1, 1], [], []>, transpose_lhs_hint = false} : vector<2048x64xbf16>, vector<64x128xbf16>, vector<2048x128xf32> -> vector<2048x128xf32>
    %reduce_sum3A = arith.constant dense<0.000000e+00> : vector<128xf32>
    %reduce_sum3A_20 = vector.multi_reduction <add>, %dot_general3A_19, %reduce_sum3A [0] : vector<2048x128xf32> to vector<128xf32>
    %mul3A_21 = arith.mulf %dot_general3A_19, %dot_general3A_19 : vector<2048x128xf32>
    %reduce_sum3A_22 = arith.constant dense<0.000000e+00> : vector<128xf32>
    %reduce_sum3A_23 = vector.multi_reduction <add>, %mul3A_21, %reduce_sum3A_22 [0] : vector<2048x128xf32> to vector<128xf32>
    %stack3A = vector.shape_cast %reduce_sum3A_20 : vector<128xf32> to vector<1x128xf32>
    %stack3A_24 = vector.shape_cast %reduce_sum3A_23 : vector<128xf32> to vector<1x128xf32>
    %stack3A_25 = tpu.concatenate %stack3A, %stack3A_24 in 0 : vector<1x128xf32>, vector<1x128xf32> -> vector<2x128xf32>
    %broadcast_in_dim3A_26 = vector.shape_cast %stack3A_25 : vector<2x128xf32> to vector<1x2x128xf32>
    %swap3A = arith.constant 0 : index
    %swap3A_27 = arith.constant 0 : index
    %swap3A_28 = arith.constant 0 : index
    %swap3A_29 = vector.load %arg5[%swap3A, %swap3A_27, %swap3A_28] : memref<1x2x128xf32, #tpu.memory_space<vmem>>, vector<1x2x128xf32>
    tpu.vector_store %arg5[%swap3A, %swap3A_27, %swap3A_28], %broadcast_in_dim3A_26 {strides = array<i32>} : memref<1x2x128xf32, #tpu.memory_space<vmem>>, vector<1x2x128xf32>,
    %reshape3A = vector.shape_cast %dot_general3A_19 : vector<2048x128xf32> to vector<64x32x128xf32>
    %reduce_max3A = arith.constant dense<0xFF800000> : vector<64x128xf32>
    %reduce_max3A_30 = vector.multi_reduction <maximumf>, %reshape3A, %reduce_max3A [1] : vector<64x32x128xf32> to vector<64x128xf32>
    %swap3A_31 = arith.constant 0 : index
    %swap3A_32 = arith.constant 0 : index
    %swap3A_33 = vector.load %arg4[%swap3A_31, %swap3A_32] : memref<64x128xf32, #tpu.memory_space<vmem>>, vector<64x128xf32>
    tpu.vector_store %arg4[%swap3A_31, %swap3A_32], %reduce_max3A_30 {strides = array<i32>} : memref<64x128xf32, #tpu.memory_space<vmem>>, vector<64x128xf32>,
    return
  }
  func.func @transform_0(%arg0: i32) -> (i32, i32) {
    %c0_i32 = arith.constant 0 : i32
    %c0_i32_0 = arith.constant 0 : i32
    return %arg0, %c0_i32 : i32, i32
  }
  func.func @transform_1(%arg0: i32) -> (i32, i32) {
    %c0_i32 = arith.constant 0 : i32
    %c0_i32_0 = arith.constant 0 : i32
    %c0_i32_1 = arith.constant 0 : i32
    return %c0_i32, %c0_i32_0 : i32, i32
  }
  func.func @transform_2(%arg0: i32) -> (i32, i32) {
    %c0_i32 = arith.constant 0 : i32
    %c0_i32_0 = arith.constant 0 : i32
    %c0_i32_1 = arith.constant 0 : i32
    return %c0_i32, %c0_i32_0 : i32, i32
  }
  func.func @transform_3(%arg0: i32) -> (i32, i32) {
    %c0_i32 = arith.constant 0 : i32
    %c0_i32_0 = arith.constant 0 : i32
    return %arg0, %c0_i32 : i32, i32
  }
  func.func @transform_4(%arg0: i32) -> (i32, i32, i32) {
    %c0_i32 = arith.constant 0 : i32
    %c0_i32_0 = arith.constant 0 : i32
    %c0_i32_1 = arith.constant 0 : i32
    return %arg0, %c0_i32, %c0_i32_0 : i32, i32, i32
  }
}

module attributes {stable_mosaic.version = 14 : i64} {
  func.func @_finalize_body(%arg0: i32, %arg1: i32, %arg2: memref<256x128xf32, #tpu.memory_space<vmem>>, %arg3: memref<8x128xf32, #tpu.memory_space<vmem>>, %arg4: memref<1x128x256xf32, #tpu.memory_space<vmem>>) attributes {dimension_semantics = [#tpu.dimension_semantics<arbitrary>, #tpu.dimension_semantics<arbitrary>], iteration_bounds = array<i64: 8, 4>, scalar_prefetch = 0 : i64, scratch_operands = 0 : i64, tpu.core_type = #tpu.core_type<tc>, window_params = [{transform_indices = @transform_0, window_bounds = array<i64: 256, 128>}, {pipeline_mode = #tpu.pipeline_mode<synchronous>, transform_indices = @transform_1, window_bounds = array<i64: 8, 128>}, {transform_indices = @transform_2, window_bounds = array<i64: 1, 128, 256>}]} {
    %get3A = arith.constant 0 : index
    %get3A_0 = arith.constant 0 : index
    %get3A_1 = vector.load %arg2[%get3A, %get3A_0] : memref<256x128xf32, #tpu.memory_space<vmem>>, vector<256x128xf32>
    %get3A_2 = arith.constant 0 : index
    %get3A_3 = arith.constant 0 : index
    %get3A_4 = vector.load %arg3[%get3A_2, %get3A_3] : memref<8x128xf32, #tpu.memory_space<vmem>>, vector<1x128xf32>
    %get3A_5 = vector.shape_cast %get3A_4 : vector<1x128xf32> to vector<128xf32>
    %broadcast_in_dim3A = vector.shape_cast %get3A_5 : vector<128xf32> to vector<1x128xf32>
    %mul3A = vector.broadcast %broadcast_in_dim3A : vector<1x128xf32> to vector<256x128xf32>
    %mul3A_6 = arith.mulf %get3A_1, %mul3A : vector<256x128xf32>
    %get3A_7 = arith.constant 1 : index
    %get3A_8 = arith.constant 0 : index
    %get3A_9 = vector.load %arg3[%get3A_7, %get3A_8] : memref<8x128xf32, #tpu.memory_space<vmem>>, vector<1x128xf32>
    %get3A_10 = vector.shape_cast %get3A_9 : vector<1x128xf32> to vector<128xf32>
    %broadcast_in_dim3A_11 = vector.shape_cast %get3A_10 : vector<128xf32> to vector<1x128xf32>
    %add3A = vector.broadcast %broadcast_in_dim3A_11 : vector<1x128xf32> to vector<256x128xf32>
    %add3A_12 = arith.addf %mul3A_6, %add3A : vector<256x128xf32>
    %max3A = arith.constant 0.000000e+00 : f32
    %max3A_13 = vector.broadcast %max3A : f32 to vector<256x128xf32>
    %max3A_14 = arith.maximumf %add3A_12, %max3A_13 : vector<256x128xf32>
    %transpose3A = tpu.transpose %max3A_14, [1, 0] : vector<256x128xf32> -> vector<128x256xf32>
    %broadcast_in_dim3A_15 = vector.shape_cast %transpose3A : vector<128x256xf32> to vector<1x128x256xf32>
    %swap3A = arith.constant 0 : index
    %swap3A_16 = arith.constant 0 : index
    %swap3A_17 = arith.constant 0 : index
    %swap3A_18 = vector.load %arg4[%swap3A, %swap3A_16, %swap3A_17] : memref<1x128x256xf32, #tpu.memory_space<vmem>>, vector<1x128x256xf32>
    tpu.vector_store %arg4[%swap3A, %swap3A_16, %swap3A_17], %broadcast_in_dim3A_15 {strides = array<i32>} : memref<1x128x256xf32, #tpu.memory_space<vmem>>, vector<1x128x256xf32>,
    return
  }
  func.func @transform_0(%arg0: i32, %arg1: i32) -> (i32, i32) {
    %mul3A = arith.constant 4 : i32
    %mul3A_0 = arith.muli %arg0, %mul3A : i32
    %add3A = arith.addi %mul3A_0, %arg1 : i32
    %c0_i32 = arith.constant 0 : i32
    %c0_i32_1 = arith.constant 0 : i32
    return %add3A, %c0_i32 : i32, i32
  }
  func.func @transform_1(%arg0: i32, %arg1: i32) -> (i32, i32) {
    %c0_i32 = arith.constant 0 : i32
    %c0_i32_0 = arith.constant 0 : i32
    %c0_i32_1 = arith.constant 0 : i32
    return %c0_i32, %c0_i32_0 : i32, i32
  }
  func.func @transform_2(%arg0: i32, %arg1: i32) -> (i32, i32, i32) {
    %c0_i32 = arith.constant 0 : i32
    %c0_i32_0 = arith.constant 0 : i32
    return %arg0, %c0_i32, %arg1 : i32, i32, i32
  }
}

</mosaic_0001>

<sc_bundles>
// kernel: kernel.9.cloned.1.call-start
scs
__scs_entry_jumppad:
0x0: {  	(pc) =	sbr.rel $0x88, $3  }
0x1: {  	(tag) =	ssettag $0x0;
	lr =	simm.s32 $0x1  }
0x2: {  	[smem:$0x3F96] =	sst lr;
	_ =	strace $0xD0000000  }
0x3: {  	_ = 	snop  }
0x4: {  	_ = 	snop  }
0x5: {  	_ = 	snop  }
0x6: {  	_ = 	snop  }
0x7: {  	_ = 	snop  }
__scs_overlays_trampoline_lowered:
0x8: {  	[smem:$0x3FA5] =	sst s0  }
0x9: {  	[smem:$0x3FA6] =	sst s1  }
0xa: {  	[smem:$0x3FA7] =	sst s2  }
0xb: {  	[smem:$0x3FA8] =	sst s3  }
0xc: {  	[smem:$0x3FA9] =	sst s4  }
0xd: {  	[smem:$0x3FAA] =	sst s5  }
0xe: {  	[smem:$0x3FAB] =	sst s6  }
0xf: {  	[smem:$0x3FAC] =	sst s7  }
0x10: {  	[smem:$0x3FAD] =	sst s8  }
0x11: {  	[smem:$0x3FAE] =	sst s9;
	s0 =	simm.s32 @!p0 $0x0  }
0x12: {  	s1 =	sld [smem:$0x3F94];
	s0 =	simm.s32 @p0 $0x1  }
0x13: {  	[smem:$0x3FAF] =	sst s0;
	s0 =	simm.s32 @!p1 $0x0  }
0x14: {  	s2 =	sld [smem:$0x3F93];
	s0 =	simm.s32 @p1 $0x1  }
0x15: {  	[smem:$0x3FB0] =	sst s0;
	s0 =	simm.s32 @!p2 $0x0  }
0x16: {  	s3 =	sld [smem:$0x3FDB];
	s0 =	simm.s32 @p2 $0x1  }
0x17: {  	s4 =	simm.s32 $0x1BF5;
	[smem:$0x3FB2] =	sst s0  }
0x18: {  	s0 =	sld [smem:$0x3F95];
	_ =	swait.ge [sflag:s4], $0x0  }
0x19: {  	s7 =	sld [smem:$0x3F96]  }
0x1a: {  	s8 =	sadd.s32 $0xFFFFE003, lr  }
0x1b: {  	s9 =	sadd.s32 $0xFFFFFEF7, lr;
	s5 =	simm.s32 $0xFFFFFFFF;
	p2 =	slt.u32 s8, $0xFFFFF086  }
0x1c: {  	p1 =	slt.u32 s9, $0xF7A;
	s5 =	simm.s32 @!p2 $0x0  }
0x1d: {  	s5 =	simm.s32 @p1 $0x1;
	p0 =	seq.s32 s7, s2  }
0x1e: {  	s7 =	smul.u32 @!p0 $0xF7A, s2;
	p2 =	seq.s32 @!p0 s5, $0x0  }
0x1f: {  	s9 =	smul.u32 $0xF7A, s1;
	s8 =	simm.s32 @!p0 $0x1BF5;
	p2 =	por !p2, p0  }
0x20: {  	[sflag:s8] =	ssyncset.s32 @!p0 $0xFFFFF086;
	s6 =	sadd.s32 @!p0 s3, s7;
	s7 =	simm.s32 @!p0 $0x108  }
0x21: {  	s3 =	sadd.s32 s3, s9;
	s6 =	sadd.s32 @!p0 $0x88, s6;
	s7 =	simm.s32 @p2 $0x1082  }
0x22: {  	[simem:s7], [sflag:s8] =	dma.local @!p0 [hbm:s6], $0xF7A  }
0x23: {  	s9 =	sor.u32 $0xD0000000, s2;
	s6 =	simm.s32 $0x108;
	_ =	swait.ge @!p0 [sflag:s8], $0x0  }
0x24: {  	s3 =	sadd.s32 $0x88, s3;
	s6 =	simm.s32 @!p1 $0x1082;
	[sflag:s4] =	ssyncset.s32 $0xFFFFF086  }
0x25: {  	[simem:s6], [sflag:s4] =	dma.local [hbm:s3], $0xF7A  }
0x26: {  	[smem:$0x3F96] =	sst s1;
	(tag) =	ssettag s2;
	_ =	strace s9  }
0x27: {  	s1 =	sld [smem:$0x3FA6]  }
0x28: {  	s2 =	sld [smem:$0x3FA7]  }
0x29: {  	s4 =	sld [smem:$0x3FA9]  }
0x2a: {  	p0 =	seq.s32 s5, $0x0;
	s5 =	sld [smem:$0x3FAA]  }
0x2b: {  	s6 =	sld [smem:$0x3FAB]  }
0x2c: {  	s7 =	sld [smem:$0x3FAC]  }
0x2d: {  	s3 =	simm.s32 $0x108;
	s8 =	sld [smem:$0x3FAD]  }
0x2e: {  	s3 =	simm.s32 @!p0 $0x1082;
	s9 =	sld [smem:$0x3FAE]  }
0x2f: {  	lr =	sadd.s32 s0, s3;
	s0 =	sld [smem:$0x3FA5]  }
0x30: {  	s3 =	sld [smem:$0x3FA8]  }
0x31: {  	[smem:$0x3FB1] =	sst s10  }
0x32: {  	s10 =	sld [smem:$0x3FAF];
	_ =	sdelay $0x3  }
0x33: {  	p0 =	seq.s32 s10, $0x1;
	s10 =	sld [smem:$0x3FB1];
	_ =	sdelay $0x3  }
0x34: {  	[smem:$0x3FB1] =	sst s10  }
0x35: {  	s10 =	sld [smem:$0x3FB0];
	_ =	sdelay $0x3  }
0x36: {  	p1 =	seq.s32 s10, $0x1;
	s10 =	sld [smem:$0x3FB1];
	_ =	sdelay $0x3  }
0x37: {  	[smem:$0x3FB1] =	sst s10  }
0x38: {  	s10 =	sld [smem:$0x3FB2]  }
0x39: {  	_ = 	snop;
	(pc) =	sbr.ind lr, $3  }
0x3a: {  	_ = 	snop  }
0x3b: {  	_ = 	snop  }
0x3c: {  	p2 =	seq.s32 s10, $0x1;
	s10 =	sld [smem:$0x3FB1]  }
0x3d: {  	_ =	shalt  }
0x3e: {  	_ =	shalt  }
0x3f: {  	_ =	shalt  }
0x40: {  	_ =	shalt  }
0x41: {  	_ =	shalt  }
0x42: {  	_ =	shalt  }
0x43: {  	_ =	shalt  }
0x44: {  	_ =	shalt  }
0x45: {  	_ =	shalt  }
0x46: {  	_ =	shalt  }
0x47: {  	_ =	shalt  }
0x48: {  	_ =	shalt  }
0x49: {  	_ =	shalt  }
0x4a: {  	_ =	shalt  }
0x4b: {  	_ =	shalt  }
0x4c: {  	_ =	shalt  }
0x4d: {  	_ =	shalt  }
0x4e: {  	_ =	shalt  }
0x4f: {  	_ =	shalt  }
0x50: {  	_ =	shalt  }
0x51: {  	_ =	shalt  }
0x52: {  	_ =	shalt  }
0x53: {  	_ =	shalt  }
0x54: {  	_ =	shalt  }
0x55: {  	_ =	shalt  }
0x56: {  	_ =	shalt  }
0x57: {  	_ =	shalt  }
0x58: {  	_ =	shalt  }
0x59: {  	_ =	shalt  }
0x5a: {  	_ =	shalt  }
0x5b: {  	_ =	shalt  }
0x5c: {  	_ =	shalt  }
0x5d: {  	_ =	shalt  }
0x5e: {  	_ =	shalt  }
0x5f: {  	_ =	shalt  }
0x60: {  	_ =	shalt  }
0x61: {  	_ =	shalt  }
0x62: {  	_ =	shalt  }
0x63: {  	_ =	shalt  }
0x64: {  	_ =	shalt  }
0x65: {  	_ =	shalt  }
0x66: {  	_ =	shalt  }
0x67: {  	_ =	shalt  }
0x68: {  	_ =	shalt  }
0x69: {  	_ =	shalt  }
0x6a: {  	_ =	shalt  }
0x6b: {  	_ =	shalt  }
0x6c: {  	_ =	shalt  }
0x6d: {  	_ =	shalt  }
0x6e: {  	_ =	shalt  }
0x6f: {  	_ =	shalt  }
0x70: {  	_ =	shalt  }
0x71: {  	_ =	shalt  }
0x72: {  	_ =	shalt  }
0x73: {  	_ =	shalt  }
0x74: {  	_ =	shalt  }
0x75: {  	_ =	shalt  }
0x76: {  	_ =	shalt  }
0x77: {  	_ =	shalt  }
0x78: {  	_ =	shalt  }
0x79: {  	_ =	shalt  }
0x7a: {  	_ =	shalt  }
0x7b: {  	_ =	shalt  }
0x7c: {  	_ =	shalt  }
0x7d: {  	_ =	shalt  }
0x7e: {  	_ =	shalt  }
0x7f: {  	_ =	shalt  }
0x80: {  	_ =	shalt  }
0x81: {  	_ =	shalt  }
0x82: {  	_ =	shalt  }
0x83: {  	_ =	shalt  }
0x84: {  	_ =	shalt  }
0x85: {  	_ =	shalt  }
0x86: {  	_ =	shalt  }
0x87: {  	_ =	shalt  }
.Lfunc_end0:
.L_simem_size_0:
called_computation_lowered:
.L_overlay_start_0:
0x88: {  	s2 =	sld [smem:$0x3FD9]  }
0x89: {  	s3 =	sld [smem:$0x3FFE];
	_ =	sdelay $0x1  }
0x8a: {  	s1 =	srdreg.scid  }
0x8b: {  	s0 =	sand.u32 $0x1, s1  }
0x8c: {  	s14 =	sshll.u32 s0, $0xA;
	s2 =	sadd.s32 s3, s2  }
0x8d: {  	s2 =	sadd.s32 s2, s14  }
0x8e: {  	[smem:$0x3FBD] =	sst s2  }
0x8f: {  	_ = 	snop  }
0x90: {  	s2 =	sld [smem:$0x3FD0];
	_ =	sdelay $0x2  }
0x91: {  	s15 =	simm.s32 $0xA;
	s4 =	simm.s32 $0x10  }
0x92: {  	[smem:s4], [sflag:s15] =	dma.local [hbm:s2], $0x1  }
0x93: {  	_ =	swait.eq [sflag:s15], $0x1  }
0x94: {  	[sflag:s15] =	ssyncset.done $0x0  }
0x95: {  	[sflag:s15] =	ssyncadd.s32 $0xFFFFFFFF  }
0x96: {  	s16 =	sld [smem:$0x11];
	(tm) =	ssettm $0x1  }
0x97: {  	s17 =	sld [smem:$0x3FFB];
	_ =	sdelay $0x3  }
0x98: {  	_ =	strace s17  }
0x99: {  	s3 =	sld [smem:$0x3FFC];
	_ =	sdelay $0x3  }
0x9a: {  	_ =	strace s3  }
0x9b: {  	s3 =	sld [smem:$0x3FFD];
	_ =	sdelay $0x3  }
0x9c: {  	_ =	strace s3  }
0x9d: {  	_ =	strace $0x8FFFFFFF  }
0x9e: {  	s18 =	sld [smem:$0x3FDB];
	_ =	sdelay $0x1  }
0x9f: {  	s19 =	simm.s32 $_scs_section_size  }
0xa0: {  	s5 =	simm.s32 $_size__tile_overlayer_lowered;
	s6 =	simm.s32 $_tile_overlayer_lowered  }
0xa1: {  	s22 =	simm.s32 $0x1BFF;
	s21 =	sshll.u32 s6, $0x1;
	s3 =	sadd.s32 s19, s18  }
0xa2: {  	s7 =	simm.s32 $0x0;
	s20 =	sshll.u32 s5, $0x1;
	s5 =	sadd.s32 s21, s3  }
0xa3: {  	[timem:s7], [sflag:s22] =	dma.local [hbm:s5], s20  }
0xa4: {  	_ =	swait.ge [sflag:s22], s20  }
0xa5: {  	s4 =	ssub.s32 $0x0, s20;
	[sflag:s22] =	ssyncset.done $0x0  }
0xa6: {  	[sflag:s22] =	ssyncadd.s32 s4;
	_ =	sdelay $0x1  }
0xa7: {  	s23 =	simm.s32 $0x1B8B  }
0xa8: {  	_ =	swait.ge [sflag:s23], $0x1  }
0xa9: {  	[sflag:s23] =	ssyncset.done $0x0  }
0xaa: {  	s25 =	simm.s32 $0x1B8E;
	s24 =	sld [smem:$0x3FFE];
	[sflag:s23] =	ssyncadd.s32 $0xFFFFFFFF  }
0xab: {  	s26 =	simm.s32 $execute0_lowered;
	[smem:$0x3FD2] =	sst s25  }
0xac: {  	s5 =	sshll.u32 s26, $0x1;
	_ =	strace $0x80000046;
	[dreg:$0x1] =	wrdreg $0xFFFFFFFF  }
0xad: {  	s28 =	simm.s32 $_size_execute0_lowered;
	s3 =	sadd.s32 s3, s5;
	[dreg:$0x0] =	wrdreg $0x0  }
0xae: {  	s5 =	sshll.u32 s28, $0x1;
	[dreg:$0x2] =	wrdreg s3  }
0xaf: {  	[dreg:$0x3] =	wrdreg s5  }
0xb0: {  	[dreg:$0x4] =	wrdreg $0xC0  }
0xb1: {  	_ =	task [dreg:s7], $0x5FFFF  }
0xb2: {  	[dreg:$0x1] =	wrdreg $0xFFFFFFFF  }
0xb3: {  	[dreg:$0x0] =	wrdreg $0x60  }
0xb4: {  	[dreg:$0x2] =	wrdreg s24  }
0xb5: {  	[dreg:$0x3] =	wrdreg s16  }
0xb6: {  	[dreg:$0x4] =	wrdreg $0x9  }
0xb7: {  	_ =	task.clear_ibuf [dreg:s7], $0x5FFFF;
	_ =	strace $0x90000046  }
0xb8: {  	s29 =	simm.s32 $0x9;
	_ =	strace $0x80000048  }
0xb9: {  	_ =	swait.ge [sflag:s29], $0x1  }
0xba: {  	[sflag:s29] =	ssyncadd.s32 $0xFFFFFFFF  }
0xbb: {  	_ =	strace $0x90000048  }
0xbc: {  	_ =	sfence  }
0xbd: {  	s30 =	sld [smem:$0x0];
	_ =	sdelay $0x2  }
0xbe: {  	s31 =	sshll.u32 s1, $0xD;
	s1 =	sshrl.u32 s1, $0x2  }
0xbf: {  	s3 =	sand.u32 $0x4000, s31;
	s1 =	sadd.s32 s1, s30  }
0xc0: {  	s0 =	sor.u32 s3, s0;
	s1 =	sshll.u32 s1, $0x11  }
0xc1: {  	s0 =	sor.u32 s1, s0  }
0xc2: {  	s0 =	sadd.s32 $0x8F2B, s0  }
0xc3: {  	[sflag:s0] =	ssyncadd.remote.s32 $0x1  }
0xc4: {  	_ =	sfence.sel $0xFFFF  }
0xc5: {  	[dreg:$0x0] =	wrdreg $0xFFFFFFFF;
	(pc) =	sbr.abs _section_cstart, $3  }
0xc6: {  	[dreg:$0x1] =	wrdreg $0xFFFFFFFF  }
0xc7: {  	_ =	task.clear_ibuf [dreg:s7], $0x2FFFF;
	_ =	strace $0x9FFFFFFF  }
0xc8: {  	(tm) =	ssettm $0x7FFFFFFF  }
0xc9: {  	_ =	shalt  }
tec
execute0_lowered:
.L_overlay_start_1:
0x0: {  	(tag) =	ssettag $0x1  }
0x1: {  	s1 =	srdreg.scid;
	s5 =	rddreg [dreg:$0x0]  }
0x2: {  	s0 =	stileid.u32;
	s2 =	rddreg [dreg:$0x1];
	s3 =	simm.s32 $0x0  }
0x3: {  	s14 =	simm.s32 $0x2;
	s6 =	sand.u32 $0x1, s1;
	s1 =	rddreg [dreg:$0x2]  }
0x4: {  	s15 =	simm.s32 $0x0;
	s4 =	sshll.u32 s0, $0xE;
	[smem:$0x7FF] =	sst s3  }
0x5: {  	s9 =	sshll.u32 s0, $0x11;
	s11 =	sshll.u32 s0, $0xF;
	s7 =	sshll.u32 s6, $0xD  }
0x6: {  	_ =	strace $0x80000047;
	s10 =	ssub.s32 $0x2, s6;
	s9 =	sadd.s32 s9, s5  }
0x7: {  	s11 =	sadd.s32 s11, s5;
	s30 =	sshll.u32 s6, $0xE;
	s4 =	sor.u32 s7, s4  }
0x8: {  	s31 =	sshll.u32 s6, $0x10;
	s12 =	sshrl.u32 s10, $0x1;
	s7 =	sshrl.u32 s4, $0x3  }
0x9: {  	s4 =	sadd.s32 $0xA600, s5;
	s10 =	ssub.s32 s10, s12;
	s12 =	simm.s32 $0x12000  }
0xa: {  	s8 =	sadd.s32 s7, s5;
	s13 =	sand.u32 $0x7000, s7;
	s6 =	smax.u32 s10, $0x1  }
0xb: {  	s7 =	sadd.s32 s30, s11;
	s10 =	simm.s32 $0x400;
	s11 =	simm.s32 $0x2000  }
0xc: {  	s5 =	sadd.s32 $0x2600, s8;
	s8 =	sadd.s32 s31, s9;
	s7 =	sadd.s32 $0x4A600, s7  }
0xd: {  	s9 =	simm.s32 $0x3;
	v0 =	vmov s13;
	s13 =	simm.s32 $0x1;
	s8 =	sadd.s32 $0xCA600, s8  }
.LBB2_1:
0xe: {  	[tilespmem:s3], [sflag:$0x3] =	stream.linear.gather [hbm4b:s5+s3], $0x2000, $0x38;
	[tilespmem:$0x16000] =	vst v63  }
0xf: {  	_ =	swait.ge [sflag:s9], $0x2000  }
0x10: {  	[sflag:s9] =	ssyncset.done $0x0  }
0x11: {  	s16 =	simm.s32 $0x0;
	s17 =	simm.s32 $0x40;
	[sflag:s9] =	ssyncadd.s32 $0xFFFFE000  }
.LBB2_2:
0x12: {  	p0 =	sne.s32 s17, $0x7FC0;
	v1 =	vld [tilespmem:s16+$0x0];
	_ =	sdelay $0x1  }
.Ltmp0:
0x13: {  	(pc) =	sbr.rel @p0 .LBB2_2-.Ltmp0, $3  }
0x14: {  	_ =	sdelay $0x1  }
0x15: {  	v1 =	vadd.s32 v0, v1  }
0x16: {  	[tilespmem:s16+$0x0] =	vst v1;
	s16 =	sshra.s32 s17, $0x2;
	s17 =	sadd.s32 $0x40, s17  }
0x17: {  	v1 =	vld [tilespmem:s16+$0x0];
	_ =	sdelay $0x4  }
0x18: {  	v1 =	vadd.s32 v0, v1  }
0x19: {  	[tilespmem:s16+$0x0] =	vst v1;
	s16 =	simm.s32 $0x0  }
0x1a: {  	[tilespmem:s11], [sflag:$0x1] =	stream.indirect.gather [hbm4b:s4+s10], $0x40, s16, s10, $0xb8;
	[tilespmem:$0x16000] =	vst v63  }
0x1b: {  	_ = 	snop  }
0x1c: {  	[tilespmem:s12], [sflag:$0x2] =	stream.indirect.gather [hbm4b:s2+s10], $0x10, s16, s10, $0xb8;
	[tilespmem:$0x16000] =	vst v63  }
0x1d: {  	_ =	swait.ge [sflag:s13], $0x10000  }
0x1e: {  	[sflag:s13] =	ssyncset.done $0x0  }
0x1f: {  	[sflag:s13] =	ssyncadd.s32 $0xFFFF0000  }
0x20: {  	_ =	swait.ge [sflag:s14], $0x4000  }
0x21: {  	[sflag:s14] =	ssyncset.done $0x0  }
0x22: {  	[sflag:s14] =	ssyncadd.s32 $0xFFFFC000  }
0x23: {  	[hbm4b:s8+s3] =	stream.linear.scatter [tilespmem:s11], [sflag:$0x3], $0x10000, $0x38;
	[tilespmem:$0x16000] =	vst v63  }
0x24: {  	_ =	swait.ge [sflag:s9], $0x10000  }
0x25: {  	[sflag:s9] =	ssyncset.done $0x0  }
0x26: {  	s17 =	sadd.s32 $0x0, s7;
	[sflag:s9] =	ssyncadd.s32 $0xFFFF0000  }
0x27: {  	[hbm4b:s17+s3] =	stream.linear.scatter [tilespmem:s12], [sflag:$0x3], $0x4000, $0x38;
	[tilespmem:$0x16000] =	vst v63  }
0x28: {  	_ =	swait.ge [sflag:s9], $0x4000  }
0x29: {  	s18 =	smov.u32 s8;
	s17 =	simm.s32 $0x800;
	[sflag:s9] =	ssyncset.done $0x0  }
.LBB2_4:
0x2a: {  	[sflag:s9] =	ssyncadd.s32 $0xFFFFC000;
	s18 =	sadd.s32 $0x2000, s18;
	s16 =	sadd.s32 $0x400, s16  }
0x2b: {  	[tilespmem:s11], [sflag:$0x1] =	stream.indirect.gather [hbm4b:s4+s10], $0x40, s16, s10, $0xb8;
	[tilespmem:$0x16000] =	vst v63  }
0x2c: {  	p0 =	sne.s32 s17, $0x3800;
	s19 =	smov.u32 s17;
	s17 =	sadd.s32 $0x800, s17  }
0x2d: {  	[tilespmem:s12], [sflag:$0x2] =	stream.indirect.gather [hbm4b:s2+s10], $0x10, s16, s10, $0xb8;
	[tilespmem:$0x16000] =	vst v63  }
0x2e: {  	_ =	swait.ge [sflag:s13], $0x10000  }
0x2f: {  	[sflag:s13] =	ssyncset.done $0x0  }
0x30: {  	[sflag:s13] =	ssyncadd.s32 $0xFFFF0000  }
0x31: {  	_ =	swait.ge [sflag:s14], $0x4000  }
0x32: {  	[sflag:s14] =	ssyncset.done $0x0  }
0x33: {  	[sflag:s14] =	ssyncadd.s32 $0xFFFFC000  }
0x34: {  	[hbm4b:s18+s3] =	stream.linear.scatter [tilespmem:s11], [sflag:$0x3], $0x10000, $0x38;
	[tilespmem:$0x16000] =	vst v63  }
0x35: {  	_ =	swait.ge [sflag:s9], $0x10000  }
.Ltmp1:
0x36: {  	[sflag:s9] =	ssyncset.done $0x0;
	(pc) =	sbr.rel @p0 .LBB2_4-.Ltmp1, $4  }
0x37: {  	s19 =	sadd.s32 s19, s7;
	[sflag:s9] =	ssyncadd.s32 $0xFFFF0000  }
0x38: {  	[hbm4b:s19+s3] =	stream.linear.scatter [tilespmem:s12], [sflag:$0x3], $0x4000, $0x38;
	[tilespmem:$0x16000] =	vst v63  }
0x39: {  	_ =	swait.ge [sflag:s9], $0x4000  }
0x3a: {  	[sflag:s9] =	ssyncset.done $0x0  }
0x3b: {  	s15 =	sadd.s32 $0x1, s15  }
0x3c: {  	p0 =	sne.s32 s15, s6  }
.Ltmp2:
0x3d: {  	_ = 	snop;
	(pc) =	sbr.rel @p0 .LBB2_1-.Ltmp2, $2  }
0x3e: {  	_ =	sdelay $0x2  }
0x3f: {  	[sflag:s9] =	ssyncadd.s32 $0xFFFFC000  }
0x40: {  	_ =	sfence.sel $0x180000  }
0x41: {  	[bflag:$0x0] =	sbarrier.arrive $0xFFFF  }
0x42: {  	p0 =	sne.s32 s0, $0x0;
	_ =	strace $0x90000047  }
0x43: {  	s0 =	sadd.s32 @!p0 $0x100000, s1;
	[bflag:$0x2] =	sbarrier.arrive $0xFFFF  }
0x44: {  	[sflag:s0] =	ssyncadd.tile.s32 @!p0 $0x1;
	_ =	shalt  }
.Lfunc_end2:
_tile_overlayer_lowered:
.L_overlay_start_2:
0x45: {  	(tag) =	ssettag $0x2  }
0x46: {  	s0 =	rddreg [dreg:$0x0];
	s2 =	stileid.u32  }
0x47: {  	s1 =	rddreg [dreg:$0x1];
	p0 =	sne.s32 s2, $0x0  }
0x48: {  	s3 =	rddreg [dreg:$0x2];
	[bflag:$0x3] =	sbarrier.arrive $0xFFFF;
	s2 =	simm.s32 @!p0 $0x1C03  }
0x49: {  	[timem:s3], [sflag:s2] =	dma.local @!p0 [hbm:s0], s1  }
0x4a: {  	s0 =	simm.s32 @!p0 $0x3  }
0x4b: {  	_ =	swait.ge @!p0 [sflag:s0], s1  }
0x4c: {  	s1 =	ssub.s32 @!p0 $0x0, s1;
	[sflag:s0] =	ssyncset.done @!p0 $0x0  }
0x4d: {  	[sflag:s0] =	ssyncadd.s32 @!p0 s1  }
0x4e: {  	[bflag:$0x3] =	sbarrier.arrive $0xFFFF  }
0x4f: {  	_ =	shalt  }

</sc_bundles>
